<compile_context>
chip_gen: v7x
topology: tpu7x:2x2x1
jax: 0.10.2.dev20260603
libtpu: 0.0.44.dev20260713+nightly
codegen_flags: <defaults>
</compile_context>

<pallas_src>
import functools

import jax
import jax.numpy as jnp
from jax import lax
from jax.experimental import pallas as pl
from jax.experimental.pallas import tpu as pltpu
from jax.experimental.pallas import tpu_sc as plsc

_D = 512
_SEGS = 512
_SEG_LEN = 32
_TOTAL = _SEGS * _SEG_LEN
_LANES = 16

_SC_ROWS = 8
_TC_ROWS = _D - _SC_ROWS

_NW = 32
_ELEMS = _SC_ROWS * _TOTAL
_OUT = _SC_ROWS * _SEGS
_ELEMS_W = _ELEMS // _NW
_OUT_W = _OUT // _NW
_CHUNK = 4096
_NCHUNK = _ELEMS_W // _CHUNK
_NBUF = 1
_GROUPS = _CHUNK // (_LANES * _SEG_LEN)


def _make_sc_kernel():
    info = plsc.get_sparse_core_info()
    nc = info.num_cores
    mesh = plsc.VectorSubcoreMesh(core_axis_name="c", subcore_axis_name="s")

    @functools.partial(
        pl.kernel,
        out_type=jax.ShapeDtypeStruct((_OUT,), jnp.float32),
        mesh=mesh,
        scratch_types=(
            [pltpu.VMEM((_CHUNK,), jnp.float32) for _ in range(_NBUF)]
            + [pltpu.VMEM((_OUT_W,), jnp.float32)]
            + [pltpu.SemaphoreType.DMA for _ in range(_NBUF)]
        ),
        compiler_params=pltpu.CompilerParams(needs_layout_passes=False),
    )
    def prod_at(x_hbm, out_hbm, *refs):
        bufs = refs[:_NBUF]
        out_v = refs[_NBUF]
        sems = refs[_NBUF + 1:]
        wid = lax.axis_index("s") * nc + lax.axis_index("c")
        in_base = wid * _ELEMS_W
        lane_iota = lax.broadcasted_iota(jnp.int32, (_LANES,), 0)
        rot_idx = [
            lane_iota * _SEG_LEN + ((lane_iota + i) & (_SEG_LEN - 1))
            for i in range(_SEG_LEN)
        ]

        handles = [None] * _NBUF

        def start(c):
            b = c % _NBUF
            handles[b] = pltpu.async_copy(
                x_hbm.at[pl.ds(in_base + c * _CHUNK, _CHUNK)],
                bufs[b], sems[b])

        for c in range(_NBUF - 1):
            start(c)
        for c in range(_NCHUNK):
            b = c % _NBUF
            if c + _NBUF - 1 < _NCHUNK:
                start(c + _NBUF - 1)
            handles[b].wait()
            buf = bufs[b]
            out_off = c * (_GROUPS * _LANES)

            def grp_body(g, carry, buf=buf, out_off=out_off):
                base = g * (_LANES * _SEG_LEN)
                vals = [
                    plsc.load_gather(buf, [rot_idx[i] + base])
                    for i in range(_SEG_LEN)
                ]
                while len(vals) > 1:
                    vals = [a * b for a, b in zip(vals[::2], vals[1::2])]
                out_v[pl.ds(out_off + g * _LANES, _LANES)] = vals[0]
                return carry

            lax.fori_loop(0, _GROUPS, grp_body, 0)

        pltpu.sync_copy(out_v, out_hbm.at[pl.ds(wid * _OUT_W, _OUT_W)])

    return prod_at


_sc_kernel = _make_sc_kernel()

_CC = 4096
_NSEG_CC = _CC // _SEG_LEN


def _tc_body(x_ref, o_ref):
    t = lax.broadcasted_iota(jnp.int32, (_CC, _NSEG_CC), 0)
    s = lax.broadcasted_iota(jnp.int32, (_CC, _NSEG_CC), 1)
    onehot = (t // _SEG_LEN == s).astype(jnp.float32)
    lx = jnp.log(x_ref[...])
    acc = lax.dot_general(
        lx, onehot, (((1,), (0,)), ((), ())),
        preferred_element_type=jnp.float32)
    o_ref[...] = jnp.exp(acc)


_tc_part = pl.pallas_call(
    _tc_body,
    grid=(_TOTAL // _CC,),
    in_specs=[pl.BlockSpec((_TC_ROWS, _CC), lambda j: (0, j))],
    out_specs=pl.BlockSpec((_TC_ROWS, _NSEG_CC), lambda j: (0, j)),
    out_shape=jax.ShapeDtypeStruct((_TC_ROWS, _SEGS), jnp.float32),
)


def kernel(x):
    sc_out = _sc_kernel(x[_TC_ROWS:].reshape(_ELEMS))
    tc_out = _tc_part(x)
    return jnp.concatenate([tc_out, sc_out.reshape(_SC_ROWS, _SEGS)], axis=0)

# --- scband reference (transcript-rebuilt; emitter-appended) ---
"""Pipeline reference for scband-prod-at-5411658793348 (READ-ONLY COPY).

The authoritative reference and input builder live on the scoring server;
editing this copy changes nothing except your own understanding.
"""

import jax, jax.numpy as jnp
import numpy as np

REDUCED_SIZE = 512
SEG_LEN = 32
TOTAL = REDUCED_SIZE * SEG_LEN
D = 512


def setup_inputs(seed: int = 0):
    key = jax.random.key(seed)
    x = jax.random.uniform(key, (D, TOTAL), dtype=jnp.float32)
    return {"x": x}


def reference(x):
    # ProdAt.forward with all_positive=True:
    #   x = x.log(); zeros(..., reduced_size).index_add_(-1, reduce_indices, x); return x.exp()
    idx = jnp.repeat(jnp.arange(REDUCED_SIZE), SEG_LEN)  # reduce_indices from lengths
    lx = jnp.log(x)
    z = jnp.zeros((x.shape[0], REDUCED_SIZE), dtype=x.dtype).at[:, idx].add(lx)
    return jnp.exp(z)

if __name__ == "__main__":
    import jax
    _d = setup_inputs()
    print(jax.jit(kernel)(*tuple(_d.values())))

</pallas_src>

<mosaic_0001>
#map = affine_map<(d0, d1) -> (0)>
module attributes {stable_mosaic.version = 14 : i64} {
  func.func @prod_at(%arg0: i32, %arg1: i32, %arg2: memref<131072xf32, #tpu.memory_space<hbm>>, %arg3: memref<4096xf32, #tpu.memory_space<hbm>>, %arg4: memref<4096xf32, #tpu.memory_space<vmem>>, %arg5: memref<128xf32, #tpu.memory_space<vmem>>, %arg6: memref<!tpu.dma_semaphore, #tpu.memory_space<semaphore_mem>>) attributes {dimension_semantics = [#tpu.dimension_semantics<core_parallel>, #tpu.dimension_semantics<subcore_parallel>], iteration_bounds = array<i64: 2, 16>, scalar_prefetch = 0 : i64, scratch_operands = 3 : i64, tpu.core_type = #tpu.core_type<sc_vector_subcore>, window_params = [{transform_indices = #map}, {transform_indices = #map}]} {
    %mul3A = arith.constant 2 : i32
    %mul3A_0 = arith.muli %arg1, %mul3A : i32
    %add3A = arith.addi %mul3A_0, %arg0 : i32
    %mul3A_1 = arith.constant 4096 : i32
    %mul3A_2 = arith.muli %add3A, %mul3A_1 : i32
    %iota3A = tpu.iota {dimensions = array<i32: 0>} : vector<16xi32>
    %mul3A_3 = arith.constant 32 : i32
    %mul3A_4 = vector.broadcast %mul3A_3 : i32 to vector<16xi32>
    %mul3A_5 = arith.muli %iota3A, %mul3A_4 : vector<16xi32>
    %add3A_6 = arith.constant 0 : i32
    %add3A_7 = vector.broadcast %add3A_6 : i32 to vector<16xi32>
    %add3A_8 = arith.addi %iota3A, %add3A_7 : vector<16xi32>
    %and3A = arith.constant 31 : i32
    %and3A_9 = vector.broadcast %and3A : i32 to vector<16xi32>
    %and3A_10 = arith.andi %add3A_8, %and3A_9 : vector<16xi32>
    %add3A_11 = arith.addi %mul3A_5, %and3A_10 : vector<16xi32>
    %mul3A_12 = arith.constant 32 : i32
    %mul3A_13 = vector.broadcast %mul3A_12 : i32 to vector<16xi32>
    %mul3A_14 = arith.muli %iota3A, %mul3A_13 : vector<16xi32>
    %add3A_15 = arith.constant 1 : i32
    %add3A_16 = vector.broadcast %add3A_15 : i32 to vector<16xi32>
    %add3A_17 = arith.addi %iota3A, %add3A_16 : vector<16xi32>
    %and3A_18 = arith.constant 31 : i32
    %and3A_19 = vector.broadcast %and3A_18 : i32 to vector<16xi32>
    %and3A_20 = arith.andi %add3A_17, %and3A_19 : vector<16xi32>
    %add3A_21 = arith.addi %mul3A_14, %and3A_20 : vector<16xi32>
    %mul3A_22 = arith.constant 32 : i32
    %mul3A_23 = vector.broadcast %mul3A_22 : i32 to vector<16xi32>
    %mul3A_24 = arith.muli %iota3A, %mul3A_23 : vector<16xi32>
    %add3A_25 = arith.constant 2 : i32
    %add3A_26 = vector.broadcast %add3A_25 : i32 to vector<16xi32>
    %add3A_27 = arith.addi %iota3A, %add3A_26 : vector<16xi32>
    %and3A_28 = arith.constant 31 : i32
    %and3A_29 = vector.broadcast %and3A_28 : i32 to vector<16xi32>
    %and3A_30 = arith.andi %add3A_27, %and3A_29 : vector<16xi32>
    %add3A_31 = arith.addi %mul3A_24, %and3A_30 : vector<16xi32>
    %mul3A_32 = arith.constant 32 : i32
    %mul3A_33 = vector.broadcast %mul3A_32 : i32 to vector<16xi32>
    %mul3A_34 = arith.muli %iota3A, %mul3A_33 : vector<16xi32>
    %add3A_35 = arith.constant 3 : i32
    %add3A_36 = vector.broadcast %add3A_35 : i32 to vector<16xi32>
    %add3A_37 = arith.addi %iota3A, %add3A_36 : vector<16xi32>
    %and3A_38 = arith.constant 31 : i32
    %and3A_39 = vector.broadcast %and3A_38 : i32 to vector<16xi32>
    %and3A_40 = arith.andi %add3A_37, %and3A_39 : vector<16xi32>
    %add3A_41 = arith.addi %mul3A_34, %and3A_40 : vector<16xi32>
    %mul3A_42 = arith.constant 32 : i32
    %mul3A_43 = vector.broadcast %mul3A_42 : i32 to vector<16xi32>
    %mul3A_44 = arith.muli %iota3A, %mul3A_43 : vector<16xi32>
    %add3A_45 = arith.constant 4 : i32
    %add3A_46 = vector.broadcast %add3A_45 : i32 to vector<16xi32>
    %add3A_47 = arith.addi %iota3A, %add3A_46 : vector<16xi32>
    %and3A_48 = arith.constant 31 : i32
    %and3A_49 = vector.broadcast %and3A_48 : i32 to vector<16xi32>
    %and3A_50 = arith.andi %add3A_47, %and3A_49 : vector<16xi32>
    %add3A_51 = arith.addi %mul3A_44, %and3A_50 : vector<16xi32>
    %mul3A_52 = arith.constant 32 : i32
    %mul3A_53 = vector.broadcast %mul3A_52 : i32 to vector<16xi32>
    %mul3A_54 = arith.muli %iota3A, %mul3A_53 : vector<16xi32>
    %add3A_55 = arith.constant 5 : i32
    %add3A_56 = vector.broadcast %add3A_55 : i32 to vector<16xi32>
    %add3A_57 = arith.addi %iota3A, %add3A_56 : vector<16xi32>
    %and3A_58 = arith.constant 31 : i32
    %and3A_59 = vector.broadcast %and3A_58 : i32 to vector<16xi32>
    %and3A_60 = arith.andi %add3A_57, %and3A_59 : vector<16xi32>
    %add3A_61 = arith.addi %mul3A_54, %and3A_60 : vector<16xi32>
    %mul3A_62 = arith.constant 32 : i32
    %mul3A_63 = vector.broadcast %mul3A_62 : i32 to vector<16xi32>
    %mul3A_64 = arith.muli %iota3A, %mul3A_63 : vector<16xi32>
    %add3A_65 = arith.constant 6 : i32
    %add3A_66 = vector.broadcast %add3A_65 : i32 to vector<16xi32>
    %add3A_67 = arith.addi %iota3A, %add3A_66 : vector<16xi32>
    %and3A_68 = arith.constant 31 : i32
    %and3A_69 = vector.broadcast %and3A_68 : i32 to vector<16xi32>
    %and3A_70 = arith.andi %add3A_67, %and3A_69 : vector<16xi32>
    %add3A_71 = arith.addi %mul3A_64, %and3A_70 : vector<16xi32>
    %mul3A_72 = arith.constant 32 : i32
    %mul3A_73 = vector.broadcast %mul3A_72 : i32 to vector<16xi32>
    %mul3A_74 = arith.muli %iota3A, %mul3A_73 : vector<16xi32>
    %add3A_75 = arith.constant 7 : i32
    %add3A_76 = vector.broadcast %add3A_75 : i32 to vector<16xi32>
    %add3A_77 = arith.addi %iota3A, %add3A_76 : vector<16xi32>
    %and3A_78 = arith.constant 31 : i32
    %and3A_79 = vector.broadcast %and3A_78 : i32 to vector<16xi32>
    %and3A_80 = arith.andi %add3A_77, %and3A_79 : vector<16xi32>
    %add3A_81 = arith.addi %mul3A_74, %and3A_80 : vector<16xi32>
    %mul3A_82 = arith.constant 32 : i32
    %mul3A_83 = vector.broadcast %mul3A_82 : i32 to vector<16xi32>
    %mul3A_84 = arith.muli %iota3A, %mul3A_83 : vector<16xi32>
    %add3A_85 = arith.constant 8 : i32
    %add3A_86 = vector.broadcast %add3A_85 : i32 to vector<16xi32>
    %add3A_87 = arith.addi %iota3A, %add3A_86 : vector<16xi32>
    %and3A_88 = arith.constant 31 : i32
    %and3A_89 = vector.broadcast %and3A_88 : i32 to vector<16xi32>
    %and3A_90 = arith.andi %add3A_87, %and3A_89 : vector<16xi32>
    %add3A_91 = arith.addi %mul3A_84, %and3A_90 : vector<16xi32>
    %mul3A_92 = arith.constant 32 : i32
    %mul3A_93 = vector.broadcast %mul3A_92 : i32 to vector<16xi32>
    %mul3A_94 = arith.muli %iota3A, %mul3A_93 : vector<16xi32>
    %add3A_95 = arith.constant 9 : i32
    %add3A_96 = vector.broadcast %add3A_95 : i32 to vector<16xi32>
    %add3A_97 = arith.addi %iota3A, %add3A_96 : vector<16xi32>
    %and3A_98 = arith.constant 31 : i32
    %and3A_99 = vector.broadcast %and3A_98 : i32 to vector<16xi32>
    %and3A_100 = arith.andi %add3A_97, %and3A_99 : vector<16xi32>
    %add3A_101 = arith.addi %mul3A_94, %and3A_100 : vector<16xi32>
    %mul3A_102 = arith.constant 32 : i32
    %mul3A_103 = vector.broadcast %mul3A_102 : i32 to vector<16xi32>
    %mul3A_104 = arith.muli %iota3A, %mul3A_103 : vector<16xi32>
    %add3A_105 = arith.constant 10 : i32
    %add3A_106 = vector.broadcast %add3A_105 : i32 to vector<16xi32>
    %add3A_107 = arith.addi %iota3A, %add3A_106 : vector<16xi32>
    %and3A_108 = arith.constant 31 : i32
    %and3A_109 = vector.broadcast %and3A_108 : i32 to vector<16xi32>
    %and3A_110 = arith.andi %add3A_107, %and3A_109 : vector<16xi32>
    %add3A_111 = arith.addi %mul3A_104, %and3A_110 : vector<16xi32>
    %mul3A_112 = arith.constant 32 : i32
    %mul3A_113 = vector.broadcast %mul3A_112 : i32 to vector<16xi32>
    %mul3A_114 = arith.muli %iota3A, %mul3A_113 : vector<16xi32>
    %add3A_115 = arith.constant 11 : i32
    %add3A_116 = vector.broadcast %add3A_115 : i32 to vector<16xi32>
    %add3A_117 = arith.addi %iota3A, %add3A_116 : vector<16xi32>
    %and3A_118 = arith.constant 31 : i32
    %and3A_119 = vector.broadcast %and3A_118 : i32 to vector<16xi32>
    %and3A_120 = arith.andi %add3A_117, %and3A_119 : vector<16xi32>
    %add3A_121 = arith.addi %mul3A_114, %and3A_120 : vector<16xi32>
    %mul3A_122 = arith.constant 32 : i32
    %mul3A_123 = vector.broadcast %mul3A_122 : i32 to vector<16xi32>
    %mul3A_124 = arith.muli %iota3A, %mul3A_123 : vector<16xi32>
    %add3A_125 = arith.constant 12 : i32
    %add3A_126 = vector.broadcast %add3A_125 : i32 to vector<16xi32>
    %add3A_127 = arith.addi %iota3A, %add3A_126 : vector<16xi32>
    %and3A_128 = arith.constant 31 : i32
    %and3A_129 = vector.broadcast %and3A_128 : i32 to vector<16xi32>
    %and3A_130 = arith.andi %add3A_127, %and3A_129 : vector<16xi32>
    %add3A_131 = arith.addi %mul3A_124, %and3A_130 : vector<16xi32>
    %mul3A_132 = arith.constant 32 : i32
    %mul3A_133 = vector.broadcast %mul3A_132 : i32 to vector<16xi32>
    %mul3A_134 = arith.muli %iota3A, %mul3A_133 : vector<16xi32>
    %add3A_135 = arith.constant 13 : i32
    %add3A_136 = vector.broadcast %add3A_135 : i32 to vector<16xi32>
    %add3A_137 = arith.addi %iota3A, %add3A_136 : vector<16xi32>
    %and3A_138 = arith.constant 31 : i32
    %and3A_139 = vector.broadcast %and3A_138 : i32 to vector<16xi32>
    %and3A_140 = arith.andi %add3A_137, %and3A_139 : vector<16xi32>
    %add3A_141 = arith.addi %mul3A_134, %and3A_140 : vector<16xi32>
    %mul3A_142 = arith.constant 32 : i32
    %mul3A_143 = vector.broadcast %mul3A_142 : i32 to vector<16xi32>
    %mul3A_144 = arith.muli %iota3A, %mul3A_143 : vector<16xi32>
    %add3A_145 = arith.constant 14 : i32
    %add3A_146 = vector.broadcast %add3A_145 : i32 to vector<16xi32>
    %add3A_147 = arith.addi %iota3A, %add3A_146 : vector<16xi32>
    %and3A_148 = arith.constant 31 : i32
    %and3A_149 = vector.broadcast %and3A_148 : i32 to vector<16xi32>
    %and3A_150 = arith.andi %add3A_147, %and3A_149 : vector<16xi32>
    %add3A_151 = arith.addi %mul3A_144, %and3A_150 : vector<16xi32>
    %mul3A_152 = arith.constant 32 : i32
    %mul3A_153 = vector.broadcast %mul3A_152 : i32 to vector<16xi32>
    %mul3A_154 = arith.muli %iota3A, %mul3A_153 : vector<16xi32>
    %add3A_155 = arith.constant 15 : i32
    %add3A_156 = vector.broadcast %add3A_155 : i32 to vector<16xi32>
    %add3A_157 = arith.addi %iota3A, %add3A_156 : vector<16xi32>
    %and3A_158 = arith.constant 31 : i32
    %and3A_159 = vector.broadcast %and3A_158 : i32 to vector<16xi32>
    %and3A_160 = arith.andi %add3A_157, %and3A_159 : vector<16xi32>
    %add3A_161 = arith.addi %mul3A_154, %and3A_160 : vector<16xi32>
    %mul3A_162 = arith.constant 32 : i32
    %mul3A_163 = vector.broadcast %mul3A_162 : i32 to vector<16xi32>
    %mul3A_164 = arith.muli %iota3A, %mul3A_163 : vector<16xi32>
    %add3A_165 = arith.constant 16 : i32
    %add3A_166 = vector.broadcast %add3A_165 : i32 to vector<16xi32>
    %add3A_167 = arith.addi %iota3A, %add3A_166 : vector<16xi32>
    %and3A_168 = arith.constant 31 : i32
    %and3A_169 = vector.broadcast %and3A_168 : i32 to vector<16xi32>
    %and3A_170 = arith.andi %add3A_167, %and3A_169 : vector<16xi32>
    %add3A_171 = arith.addi %mul3A_164, %and3A_170 : vector<16xi32>
    %mul3A_172 = arith.constant 32 : i32
    %mul3A_173 = vector.broadcast %mul3A_172 : i32 to vector<16xi32>
    %mul3A_174 = arith.muli %iota3A, %mul3A_173 : vector<16xi32>
    %add3A_175 = arith.constant 17 : i32
    %add3A_176 = vector.broadcast %add3A_175 : i32 to vector<16xi32>
    %add3A_177 = arith.addi %iota3A, %add3A_176 : vector<16xi32>
    %and3A_178 = arith.constant 31 : i32
    %and3A_179 = vector.broadcast %and3A_178 : i32 to vector<16xi32>
    %and3A_180 = arith.andi %add3A_177, %and3A_179 : vector<16xi32>
    %add3A_181 = arith.addi %mul3A_174, %and3A_180 : vector<16xi32>
    %mul3A_182 = arith.constant 32 : i32
    %mul3A_183 = vector.broadcast %mul3A_182 : i32 to vector<16xi32>
    %mul3A_184 = arith.muli %iota3A, %mul3A_183 : vector<16xi32>
    %add3A_185 = arith.constant 18 : i32
    %add3A_186 = vector.broadcast %add3A_185 : i32 to vector<16xi32>
    %add3A_187 = arith.addi %iota3A, %add3A_186 : vector<16xi32>
    %and3A_188 = arith.constant 31 : i32
    %and3A_189 = vector.broadcast %and3A_188 : i32 to vector<16xi32>
    %and3A_190 = arith.andi %add3A_187, %and3A_189 : vector<16xi32>
    %add3A_191 = arith.addi %mul3A_184, %and3A_190 : vector<16xi32>
    %mul3A_192 = arith.constant 32 : i32
    %mul3A_193 = vector.broadcast %mul3A_192 : i32 to vector<16xi32>
    %mul3A_194 = arith.muli %iota3A, %mul3A_193 : vector<16xi32>
    %add3A_195 = arith.constant 19 : i32
    %add3A_196 = vector.broadcast %add3A_195 : i32 to vector<16xi32>
    %add3A_197 = arith.addi %iota3A, %add3A_196 : vector<16xi32>
    %and3A_198 = arith.constant 31 : i32
    %and3A_199 = vector.broadcast %and3A_198 : i32 to vector<16xi32>
    %and3A_200 = arith.andi %add3A_197, %and3A_199 : vector<16xi32>
    %add3A_201 = arith.addi %mul3A_194, %and3A_200 : vector<16xi32>
    %mul3A_202 = arith.constant 32 : i32
    %mul3A_203 = vector.broadcast %mul3A_202 : i32 to vector<16xi32>
    %mul3A_204 = arith.muli %iota3A, %mul3A_203 : vector<16xi32>
    %add3A_205 = arith.constant 20 : i32
    %add3A_206 = vector.broadcast %add3A_205 : i32 to vector<16xi32>
    %add3A_207 = arith.addi %iota3A, %add3A_206 : vector<16xi32>
    %and3A_208 = arith.constant 31 : i32
    %and3A_209 = vector.broadcast %and3A_208 : i32 to vector<16xi32>
    %and3A_210 = arith.andi %add3A_207, %and3A_209 : vector<16xi32>
    %add3A_211 = arith.addi %mul3A_204, %and3A_210 : vector<16xi32>
    %mul3A_212 = arith.constant 32 : i32
    %mul3A_213 = vector.broadcast %mul3A_212 : i32 to vector<16xi32>
    %mul3A_214 = arith.muli %iota3A, %mul3A_213 : vector<16xi32>
    %add3A_215 = arith.constant 21 : i32
    %add3A_216 = vector.broadcast %add3A_215 : i32 to vector<16xi32>
    %add3A_217 = arith.addi %iota3A, %add3A_216 : vector<16xi32>
    %and3A_218 = arith.constant 31 : i32
    %and3A_219 = vector.broadcast %and3A_218 : i32 to vector<16xi32>
    %and3A_220 = arith.andi %add3A_217, %and3A_219 : vector<16xi32>
    %add3A_221 = arith.addi %mul3A_214, %and3A_220 : vector<16xi32>
    %mul3A_222 = arith.constant 32 : i32
    %mul3A_223 = vector.broadcast %mul3A_222 : i32 to vector<16xi32>
    %mul3A_224 = arith.muli %iota3A, %mul3A_223 : vector<16xi32>
    %add3A_225 = arith.constant 22 : i32
    %add3A_226 = vector.broadcast %add3A_225 : i32 to vector<16xi32>
    %add3A_227 = arith.addi %iota3A, %add3A_226 : vector<16xi32>
    %and3A_228 = arith.constant 31 : i32
    %and3A_229 = vector.broadcast %and3A_228 : i32 to vector<16xi32>
    %and3A_230 = arith.andi %add3A_227, %and3A_229 : vector<16xi32>
    %add3A_231 = arith.addi %mul3A_224, %and3A_230 : vector<16xi32>
    %mul3A_232 = arith.constant 32 : i32
    %mul3A_233 = vector.broadcast %mul3A_232 : i32 to vector<16xi32>
    %mul3A_234 = arith.muli %iota3A, %mul3A_233 : vector<16xi32>
    %add3A_235 = arith.constant 23 : i32
    %add3A_236 = vector.broadcast %add3A_235 : i32 to vector<16xi32>
    %add3A_237 = arith.addi %iota3A, %add3A_236 : vector<16xi32>
    %and3A_238 = arith.constant 31 : i32
    %and3A_239 = vector.broadcast %and3A_238 : i32 to vector<16xi32>
    %and3A_240 = arith.andi %add3A_237, %and3A_239 : vector<16xi32>
    %add3A_241 = arith.addi %mul3A_234, %and3A_240 : vector<16xi32>
    %mul3A_242 = arith.constant 32 : i32
    %mul3A_243 = vector.broadcast %mul3A_242 : i32 to vector<16xi32>
    %mul3A_244 = arith.muli %iota3A, %mul3A_243 : vector<16xi32>
    %add3A_245 = arith.constant 24 : i32
    %add3A_246 = vector.broadcast %add3A_245 : i32 to vector<16xi32>
    %add3A_247 = arith.addi %iota3A, %add3A_246 : vector<16xi32>
    %and3A_248 = arith.constant 31 : i32
    %and3A_249 = vector.broadcast %and3A_248 : i32 to vector<16xi32>
    %and3A_250 = arith.andi %add3A_247, %and3A_249 : vector<16xi32>
    %add3A_251 = arith.addi %mul3A_244, %and3A_250 : vector<16xi32>
    %mul3A_252 = arith.constant 32 : i32
    %mul3A_253 = vector.broadcast %mul3A_252 : i32 to vector<16xi32>
    %mul3A_254 = arith.muli %iota3A, %mul3A_253 : vector<16xi32>
    %add3A_255 = arith.constant 25 : i32
    %add3A_256 = vector.broadcast %add3A_255 : i32 to vector<16xi32>
    %add3A_257 = arith.addi %iota3A, %add3A_256 : vector<16xi32>
    %and3A_258 = arith.constant 31 : i32
    %and3A_259 = vector.broadcast %and3A_258 : i32 to vector<16xi32>
    %and3A_260 = arith.andi %add3A_257, %and3A_259 : vector<16xi32>
    %add3A_261 = arith.addi %mul3A_254, %and3A_260 : vector<16xi32>
    %mul3A_262 = arith.constant 32 : i32
    %mul3A_263 = vector.broadcast %mul3A_262 : i32 to vector<16xi32>
    %mul3A_264 = arith.muli %iota3A, %mul3A_263 : vector<16xi32>
    %add3A_265 = arith.constant 26 : i32
    %add3A_266 = vector.broadcast %add3A_265 : i32 to vector<16xi32>
    %add3A_267 = arith.addi %iota3A, %add3A_266 : vector<16xi32>
    %and3A_268 = arith.constant 31 : i32
    %and3A_269 = vector.broadcast %and3A_268 : i32 to vector<16xi32>
    %and3A_270 = arith.andi %add3A_267, %and3A_269 : vector<16xi32>
    %add3A_271 = arith.addi %mul3A_264, %and3A_270 : vector<16xi32>
    %mul3A_272 = arith.constant 32 : i32
    %mul3A_273 = vector.broadcast %mul3A_272 : i32 to vector<16xi32>
    %mul3A_274 = arith.muli %iota3A, %mul3A_273 : vector<16xi32>
    %add3A_275 = arith.constant 27 : i32
    %add3A_276 = vector.broadcast %add3A_275 : i32 to vector<16xi32>
    %add3A_277 = arith.addi %iota3A, %add3A_276 : vector<16xi32>
    %and3A_278 = arith.constant 31 : i32
    %and3A_279 = vector.broadcast %and3A_278 : i32 to vector<16xi32>
    %and3A_280 = arith.andi %add3A_277, %and3A_279 : vector<16xi32>
    %add3A_281 = arith.addi %mul3A_274, %and3A_280 : vector<16xi32>
    %mul3A_282 = arith.constant 32 : i32
    %mul3A_283 = vector.broadcast %mul3A_282 : i32 to vector<16xi32>
    %mul3A_284 = arith.muli %iota3A, %mul3A_283 : vector<16xi32>
    %add3A_285 = arith.constant 28 : i32
    %add3A_286 = vector.broadcast %add3A_285 : i32 to vector<16xi32>
    %add3A_287 = arith.addi %iota3A, %add3A_286 : vector<16xi32>
    %and3A_288 = arith.constant 31 : i32
    %and3A_289 = vector.broadcast %and3A_288 : i32 to vector<16xi32>
    %and3A_290 = arith.andi %add3A_287, %and3A_289 : vector<16xi32>
    %add3A_291 = arith.addi %mul3A_284, %and3A_290 : vector<16xi32>
    %mul3A_292 = arith.constant 32 : i32
    %mul3A_293 = vector.broadcast %mul3A_292 : i32 to vector<16xi32>
    %mul3A_294 = arith.muli %iota3A, %mul3A_293 : vector<16xi32>
    %add3A_295 = arith.constant 29 : i32
    %add3A_296 = vector.broadcast %add3A_295 : i32 to vector<16xi32>
    %add3A_297 = arith.addi %iota3A, %add3A_296 : vector<16xi32>
    %and3A_298 = arith.constant 31 : i32
    %and3A_299 = vector.broadcast %and3A_298 : i32 to vector<16xi32>
    %and3A_300 = arith.andi %add3A_297, %and3A_299 : vector<16xi32>
    %add3A_301 = arith.addi %mul3A_294, %and3A_300 : vector<16xi32>
    %mul3A_302 = arith.constant 32 : i32
    %mul3A_303 = vector.broadcast %mul3A_302 : i32 to vector<16xi32>
    %mul3A_304 = arith.muli %iota3A, %mul3A_303 : vector<16xi32>
    %add3A_305 = arith.constant 30 : i32
    %add3A_306 = vector.broadcast %add3A_305 : i32 to vector<16xi32>
    %add3A_307 = arith.addi %iota3A, %add3A_306 : vector<16xi32>
    %and3A_308 = arith.constant 31 : i32
    %and3A_309 = vector.broadcast %and3A_308 : i32 to vector<16xi32>
    %and3A_310 = arith.andi %add3A_307, %and3A_309 : vector<16xi32>
    %add3A_311 = arith.addi %mul3A_304, %and3A_310 : vector<16xi32>
    %mul3A_312 = arith.constant 32 : i32
    %mul3A_313 = vector.broadcast %mul3A_312 : i32 to vector<16xi32>
    %mul3A_314 = arith.muli %iota3A, %mul3A_313 : vector<16xi32>
    %add3A_315 = arith.constant 31 : i32
    %add3A_316 = vector.broadcast %add3A_315 : i32 to vector<16xi32>
    %add3A_317 = arith.addi %iota3A, %add3A_316 : vector<16xi32>
    %and3A_318 = arith.constant 31 : i32
    %and3A_319 = vector.broadcast %and3A_318 : i32 to vector<16xi32>
    %and3A_320 = arith.andi %add3A_317, %and3A_319 : vector<16xi32>
    %add3A_321 = arith.addi %mul3A_314, %and3A_320 : vector<16xi32>
    %add3A_322 = arith.constant 0 : i32
    %add3A_323 = arith.addi %mul3A_2, %add3A_322 : i32
    %dma_start3A = tpu.memref_slice %arg2[%add3A_323] : memref<131072xf32, #tpu.memory_space<hbm>> -> memref<4096xf32, #tpu.memory_space<hbm>>
    %dma_start3A_324 = tpu.memref_slice %arg2[%add3A_323] : memref<131072xf32, #tpu.memory_space<hbm>> -> memref<4096xf32, #tpu.memory_space<hbm>>
    tpu.enqueue_dma source(%dma_start3A_324 : memref<4096xf32, #tpu.memory_space<hbm>>) target(%arg4 : memref<4096xf32, #tpu.memory_space<vmem>>) target_semaphore(%arg6 : memref<!tpu.dma_semaphore, #tpu.memory_space<semaphore_mem>>)
    %dma_wait3A = tpu.memref_slice %arg2[%add3A_323] : memref<131072xf32, #tpu.memory_space<hbm>> -> memref<4096xf32, #tpu.memory_space<hbm>>
    %dma_wait3A_325 = tpu.memref_slice %arg2[%add3A_323] : memref<131072xf32, #tpu.memory_space<hbm>> -> memref<4096xf32, #tpu.memory_space<hbm>>
    tpu.wait_dma2 semaphore(%arg6 : memref<!tpu.dma_semaphore, #tpu.memory_space<semaphore_mem>>) src(%dma_wait3A_325 : memref<4096xf32, #tpu.memory_space<hbm>>) dst(%arg4 : memref<4096xf32, #tpu.memory_space<vmem>>)
    %scan3A = arith.constant 0 : i32
    %scan3A_326 = arith.constant 0 : i32
    %scan3A_327 = arith.constant 8 : i32
    %scan3A_328 = arith.addi %scan3A_326, %scan3A_327 : i32
    %scan3A_329 = arith.constant 1 : i32
    scf.for %scan3A_333 = %scan3A_326 to %scan3A_328 step %scan3A_329  : i32 {
      %mul3A_334 = arith.constant 512 : i32
      %mul3A_335 = arith.muli %scan3A_333, %mul3A_334 : i32
      %add3A_336 = vector.broadcast %mul3A_335 : i32 to vector<16xi32>
      %add3A_337 = arith.addi %add3A_11, %add3A_336 : vector<16xi32>
      %gather3A = tpu.vector_load_idx %arg4[%add3A_337] : memref<4096xf32, #tpu.memory_space<vmem>>[vector<16xi32>], vector<16xf32>,
      %add3A_338 = vector.broadcast %mul3A_335 : i32 to vector<16xi32>
      %add3A_339 = arith.addi %add3A_21, %add3A_338 : vector<16xi32>
      %gather3A_340 = tpu.vector_load_idx %arg4[%add3A_339] : memref<4096xf32, #tpu.memory_space<vmem>>[vector<16xi32>], vector<16xf32>,
      %add3A_341 = vector.broadcast %mul3A_335 : i32 to vector<16xi32>
      %add3A_342 = arith.addi %add3A_31, %add3A_341 : vector<16xi32>
      %gather3A_343 = tpu.vector_load_idx %arg4[%add3A_342] : memref<4096xf32, #tpu.memory_space<vmem>>[vector<16xi32>], vector<16xf32>,
      %add3A_344 = vector.broadcast %mul3A_335 : i32 to vector<16xi32>
      %add3A_345 = arith.addi %add3A_41, %add3A_344 : vector<16xi32>
      %gather3A_346 = tpu.vector_load_idx %arg4[%add3A_345] : memref<4096xf32, #tpu.memory_space<vmem>>[vector<16xi32>], vector<16xf32>,
      %add3A_347 = vector.broadcast %mul3A_335 : i32 to vector<16xi32>
      %add3A_348 = arith.addi %add3A_51, %add3A_347 : vector<16xi32>
      %gather3A_349 = tpu.vector_load_idx %arg4[%add3A_348] : memref<4096xf32, #tpu.memory_space<vmem>>[vector<16xi32>], vector<16xf32>,
      %add3A_350 = vector.broadcast %mul3A_335 : i32 to vector<16xi32>
      %add3A_351 = arith.addi %add3A_61, %add3A_350 : vector<16xi32>
      %gather3A_352 = tpu.vector_load_idx %arg4[%add3A_351] : memref<4096xf32, #tpu.memory_space<vmem>>[vector<16xi32>], vector<16xf32>,
      %add3A_353 = vector.broadcast %mul3A_335 : i32 to vector<16xi32>
      %add3A_354 = arith.addi %add3A_71, %add3A_353 : vector<16xi32>
      %gather3A_355 = tpu.vector_load_idx %arg4[%add3A_354] : memref<4096xf32, #tpu.memory_space<vmem>>[vector<16xi32>], vector<16xf32>,
      %add3A_356 = vector.broadcast %mul3A_335 : i32 to vector<16xi32>
      %add3A_357 = arith.addi %add3A_81, %add3A_356 : vector<16xi32>
      %gather3A_358 = tpu.vector_load_idx %arg4[%add3A_357] : memref<4096xf32, #tpu.memory_space<vmem>>[vector<16xi32>], vector<16xf32>,
      %add3A_359 = vector.broadcast %mul3A_335 : i32 to vector<16xi32>
      %add3A_360 = arith.addi %add3A_91, %add3A_359 : vector<16xi32>
      %gather3A_361 = tpu.vector_load_idx %arg4[%add3A_360] : memref<4096xf32, #tpu.memory_space<vmem>>[vector<16xi32>], vector<16xf32>,
      %add3A_362 = vector.broadcast %mul3A_335 : i32 to vector<16xi32>
      %add3A_363 = arith.addi %add3A_101, %add3A_362 : vector<16xi32>
      %gather3A_364 = tpu.vector_load_idx %arg4[%add3A_363] : memref<4096xf32, #tpu.memory_space<vmem>>[vector<16xi32>], vector<16xf32>,
      %add3A_365 = vector.broadcast %mul3A_335 : i32 to vector<16xi32>
      %add3A_366 = arith.addi %add3A_111, %add3A_365 : vector<16xi32>
      %gather3A_367 = tpu.vector_load_idx %arg4[%add3A_366] : memref<4096xf32, #tpu.memory_space<vmem>>[vector<16xi32>], vector<16xf32>,
      %add3A_368 = vector.broadcast %mul3A_335 : i32 to vector<16xi32>
      %add3A_369 = arith.addi %add3A_121, %add3A_368 : vector<16xi32>
      %gather3A_370 = tpu.vector_load_idx %arg4[%add3A_369] : memref<4096xf32, #tpu.memory_space<vmem>>[vector<16xi32>], vector<16xf32>,
      %add3A_371 = vector.broadcast %mul3A_335 : i32 to vector<16xi32>
      %add3A_372 = arith.addi %add3A_131, %add3A_371 : vector<16xi32>
      %gather3A_373 = tpu.vector_load_idx %arg4[%add3A_372] : memref<4096xf32, #tpu.memory_space<vmem>>[vector<16xi32>], vector<16xf32>,
      %add3A_374 = vector.broadcast %mul3A_335 : i32 to vector<16xi32>
      %add3A_375 = arith.addi %add3A_141, %add3A_374 : vector<16xi32>
      %gather3A_376 = tpu.vector_load_idx %arg4[%add3A_375] : memref<4096xf32, #tpu.memory_space<vmem>>[vector<16xi32>], vector<16xf32>,
      %add3A_377 = vector.broadcast %mul3A_335 : i32 to vector<16xi32>
      %add3A_378 = arith.addi %add3A_151, %add3A_377 : vector<16xi32>
      %gather3A_379 = tpu.vector_load_idx %arg4[%add3A_378] : memref<4096xf32, #tpu.memory_space<vmem>>[vector<16xi32>], vector<16xf32>,
      %add3A_380 = vector.broadcast %mul3A_335 : i32 to vector<16xi32>
      %add3A_381 = arith.addi %add3A_161, %add3A_380 : vector<16xi32>
      %gather3A_382 = tpu.vector_load_idx %arg4[%add3A_381] : memref<4096xf32, #tpu.memory_space<vmem>>[vector<16xi32>], vector<16xf32>,
      %add3A_383 = vector.broadcast %mul3A_335 : i32 to vector<16xi32>
      %add3A_384 = arith.addi %add3A_171, %add3A_383 : vector<16xi32>
      %gather3A_385 = tpu.vector_load_idx %arg4[%add3A_384] : memref<4096xf32, #tpu.memory_space<vmem>>[vector<16xi32>], vector<16xf32>,
      %add3A_386 = vector.broadcast %mul3A_335 : i32 to vector<16xi32>
      %add3A_387 = arith.addi %add3A_181, %add3A_386 : vector<16xi32>
      %gather3A_388 = tpu.vector_load_idx %arg4[%add3A_387] : memref<4096xf32, #tpu.memory_space<vmem>>[vector<16xi32>], vector<16xf32>,
      %add3A_389 = vector.broadcast %mul3A_335 : i32 to vector<16xi32>
      %add3A_390 = arith.addi %add3A_191, %add3A_389 : vector<16xi32>
      %gather3A_391 = tpu.vector_load_idx %arg4[%add3A_390] : memref<4096xf32, #tpu.memory_space<vmem>>[vector<16xi32>], vector<16xf32>,
      %add3A_392 = vector.broadcast %mul3A_335 : i32 to vector<16xi32>
      %add3A_393 = arith.addi %add3A_201, %add3A_392 : vector<16xi32>
      %gather3A_394 = tpu.vector_load_idx %arg4[%add3A_393] : memref<4096xf32, #tpu.memory_space<vmem>>[vector<16xi32>], vector<16xf32>,
      %add3A_395 = vector.broadcast %mul3A_335 : i32 to vector<16xi32>
      %add3A_396 = arith.addi %add3A_211, %add3A_395 : vector<16xi32>
      %gather3A_397 = tpu.vector_load_idx %arg4[%add3A_396] : memref<4096xf32, #tpu.memory_space<vmem>>[vector<16xi32>], vector<16xf32>,
      %add3A_398 = vector.broadcast %mul3A_335 : i32 to vector<16xi32>
      %add3A_399 = arith.addi %add3A_221, %add3A_398 : vector<16xi32>
      %gather3A_400 = tpu.vector_load_idx %arg4[%add3A_399] : memref<4096xf32, #tpu.memory_space<vmem>>[vector<16xi32>], vector<16xf32>,
      %add3A_401 = vector.broadcast %mul3A_335 : i32 to vector<16xi32>
      %add3A_402 = arith.addi %add3A_231, %add3A_401 : vector<16xi32>
      %gather3A_403 = tpu.vector_load_idx %arg4[%add3A_402] : memref<4096xf32, #tpu.memory_space<vmem>>[vector<16xi32>], vector<16xf32>,
      %add3A_404 = vector.broadcast %mul3A_335 : i32 to vector<16xi32>
      %add3A_405 = arith.addi %add3A_241, %add3A_404 : vector<16xi32>
      %gather3A_406 = tpu.vector_load_idx %arg4[%add3A_405] : memref<4096xf32, #tpu.memory_space<vmem>>[vector<16xi32>], vector<16xf32>,
      %add3A_407 = vector.broadcast %mul3A_335 : i32 to vector<16xi32>
      %add3A_408 = arith.addi %add3A_251, %add3A_407 : vector<16xi32>
      %gather3A_409 = tpu.vector_load_idx %arg4[%add3A_408] : memref<4096xf32, #tpu.memory_space<vmem>>[vector<16xi32>], vector<16xf32>,
      %add3A_410 = vector.broadcast %mul3A_335 : i32 to vector<16xi32>
      %add3A_411 = arith.addi %add3A_261, %add3A_410 : vector<16xi32>
      %gather3A_412 = tpu.vector_load_idx %arg4[%add3A_411] : memref<4096xf32, #tpu.memory_space<vmem>>[vector<16xi32>], vector<16xf32>,
      %add3A_413 = vector.broadcast %mul3A_335 : i32 to vector<16xi32>
      %add3A_414 = arith.addi %add3A_271, %add3A_413 : vector<16xi32>
      %gather3A_415 = tpu.vector_load_idx %arg4[%add3A_414] : memref<4096xf32, #tpu.memory_space<vmem>>[vector<16xi32>], vector<16xf32>,
      %add3A_416 = vector.broadcast %mul3A_335 : i32 to vector<16xi32>
      %add3A_417 = arith.addi %add3A_281, %add3A_416 : vector<16xi32>
      %gather3A_418 = tpu.vector_load_idx %arg4[%add3A_417] : memref<4096xf32, #tpu.memory_space<vmem>>[vector<16xi32>], vector<16xf32>,
      %add3A_419 = vector.broadcast %mul3A_335 : i32 to vector<16xi32>
      %add3A_420 = arith.addi %add3A_291, %add3A_419 : vector<16xi32>
      %gather3A_421 = tpu.vector_load_idx %arg4[%add3A_420] : memref<4096xf32, #tpu.memory_space<vmem>>[vector<16xi32>], vector<16xf32>,
      %add3A_422 = vector.broadcast %mul3A_335 : i32 to vector<16xi32>
      %add3A_423 = arith.addi %add3A_301, %add3A_422 : vector<16xi32>
      %gather3A_424 = tpu.vector_load_idx %arg4[%add3A_423] : memref<4096xf32, #tpu.memory_space<vmem>>[vector<16xi32>], vector<16xf32>,
      %add3A_425 = vector.broadcast %mul3A_335 : i32 to vector<16xi32>
      %add3A_426 = arith.addi %add3A_311, %add3A_425 : vector<16xi32>
      %gather3A_427 = tpu.vector_load_idx %arg4[%add3A_426] : memref<4096xf32, #tpu.memory_space<vmem>>[vector<16xi32>], vector<16xf32>,
      %add3A_428 = vector.broadcast %mul3A_335 : i32 to vector<16xi32>
      %add3A_429 = arith.addi %add3A_321, %add3A_428 : vector<16xi32>
      %gather3A_430 = tpu.vector_load_idx %arg4[%add3A_429] : memref<4096xf32, #tpu.memory_space<vmem>>[vector<16xi32>], vector<16xf32>,
      %mul3A_431 = arith.mulf %gather3A, %gather3A_340 : vector<16xf32>
      %mul3A_432 = arith.mulf %gather3A_343, %gather3A_346 : vector<16xf32>
      %mul3A_433 = arith.mulf %gather3A_349, %gather3A_352 : vector<16xf32>
      %mul3A_434 = arith.mulf %gather3A_355, %gather3A_358 : vector<16xf32>
      %mul3A_435 = arith.mulf %gather3A_361, %gather3A_364 : vector<16xf32>
      %mul3A_436 = arith.mulf %gather3A_367, %gather3A_370 : vector<16xf32>
      %mul3A_437 = arith.mulf %gather3A_373, %gather3A_376 : vector<16xf32>
      %mul3A_438 = arith.mulf %gather3A_379, %gather3A_382 : vector<16xf32>
      %mul3A_439 = arith.mulf %gather3A_385, %gather3A_388 : vector<16xf32>
      %mul3A_440 = arith.mulf %gather3A_391, %gather3A_394 : vector<16xf32>
      %mul3A_441 = arith.mulf %gather3A_397, %gather3A_400 : vector<16xf32>
      %mul3A_442 = arith.mulf %gather3A_403, %gather3A_406 : vector<16xf32>
      %mul3A_443 = arith.mulf %gather3A_409, %gather3A_412 : vector<16xf32>
      %mul3A_444 = arith.mulf %gather3A_415, %gather3A_418 : vector<16xf32>
      %mul3A_445 = arith.mulf %gather3A_421, %gather3A_424 : vector<16xf32>
      %mul3A_446 = arith.mulf %gather3A_427, %gather3A_430 : vector<16xf32>
      %mul3A_447 = arith.mulf %mul3A_431, %mul3A_432 : vector<16xf32>
      %mul3A_448 = arith.mulf %mul3A_433, %mul3A_434 : vector<16xf32>
      %mul3A_449 = arith.mulf %mul3A_435, %mul3A_436 : vector<16xf32>
      %mul3A_450 = arith.mulf %mul3A_437, %mul3A_438 : vector<16xf32>
      %mul3A_451 = arith.mulf %mul3A_439, %mul3A_440 : vector<16xf32>
      %mul3A_452 = arith.mulf %mul3A_441, %mul3A_442 : vector<16xf32>
      %mul3A_453 = arith.mulf %mul3A_443, %mul3A_444 : vector<16xf32>
      %mul3A_454 = arith.mulf %mul3A_445, %mul3A_446 : vector<16xf32>
      %mul3A_455 = arith.mulf %mul3A_447, %mul3A_448 : vector<16xf32>
      %mul3A_456 = arith.mulf %mul3A_449, %mul3A_450 : vector<16xf32>
      %mul3A_457 = arith.mulf %mul3A_451, %mul3A_452 : vector<16xf32>
      %mul3A_458 = arith.mulf %mul3A_453, %mul3A_454 : vector<16xf32>
      %mul3A_459 = arith.mulf %mul3A_455, %mul3A_456 : vector<16xf32>
      %mul3A_460 = arith.mulf %mul3A_457, %mul3A_458 : vector<16xf32>
      %mul3A_461 = arith.mulf %mul3A_459, %mul3A_460 : vector<16xf32>
      %mul3A_462 = arith.constant 16 : i32
      %mul3A_463 = arith.muli %scan3A_333, %mul3A_462 : i32
      %add3A_464 = arith.constant 0 : i32
      %add3A_465 = arith.addi %add3A_464, %mul3A_463 : i32
      %swap3A = arith.index_cast %add3A_465 : i32 to index
      %swap3A_466 = tpu.vector_load %arg5[%swap3A] {strides = array<i32>} : memref<128xf32, #tpu.memory_space<vmem>>, vector<16xf32>,
      tpu.vector_store %arg5[%swap3A], %mul3A_461 {strides = array<i32>} : memref<128xf32, #tpu.memory_space<vmem>>, vector<16xf32>,
    }
    %scan3A_330 = arith.constant 8 : i32
    %mul3A_331 = arith.constant 128 : i32
    %mul3A_332 = arith.muli %add3A, %mul3A_331 : i32
    "tpu.region"() ({
      %run_scoped3A = tpu.sem_alloc : memref<!tpu.dma_semaphore, #tpu.memory_space<semaphore_mem>>
      %dma_start3A_333 = tpu.memref_slice %arg3[%mul3A_332] : memref<4096xf32, #tpu.memory_space<hbm>> -> memref<128xf32, #tpu.memory_space<hbm>>
      %dma_start3A_334 = tpu.memref_slice %arg3[%mul3A_332] : memref<4096xf32, #tpu.memory_space<hbm>> -> memref<128xf32, #tpu.memory_space<hbm>>
      tpu.enqueue_dma source(%arg5 : memref<128xf32, #tpu.memory_space<vmem>>) target(%dma_start3A_334 : memref<128xf32, #tpu.memory_space<hbm>>) target_semaphore(%run_scoped3A : memref<!tpu.dma_semaphore, #tpu.memory_space<semaphore_mem>>)
      %dma_wait3A_335 = tpu.memref_slice %arg3[%mul3A_332] : memref<4096xf32, #tpu.memory_space<hbm>> -> memref<128xf32, #tpu.memory_space<hbm>>
      %dma_wait3A_336 = tpu.memref_slice %arg3[%mul3A_332] : memref<4096xf32, #tpu.memory_space<hbm>> -> memref<128xf32, #tpu.memory_space<hbm>>
      tpu.wait_dma2 semaphore(%run_scoped3A : memref<!tpu.dma_semaphore, #tpu.memory_space<semaphore_mem>>) src(%arg5 : memref<128xf32, #tpu.memory_space<vmem>>) dst(%dma_wait3A_336 : memref<128xf32, #tpu.memory_space<hbm>>)
      tpu.yield
    }) : () -> ()
    return
  }
}

module attributes {stable_mosaic.version = 14 : i64} {
  func.func @_tc_body(%arg0: i32, %arg1: memref<504x4096xf32, #tpu.memory_space<vmem>>, %arg2: memref<504x128xf32, #tpu.memory_space<vmem>>) attributes {dimension_semantics = [#tpu.dimension_semantics<arbitrary>], iteration_bounds = array<i64: 4>, scalar_prefetch = 0 : i64, scratch_operands = 0 : i64, tpu.core_type = #tpu.core_type<tc>, window_params = [{transform_indices = @transform_0, window_bounds = array<i64: 504, 4096>}, {transform_indices = @transform_1, window_bounds = array<i64: 504, 128>}]} {
    %iota3A = tpu.iota {dimensions = array<i32: 0>} : vector<4096x128xi32>
    %iota3A_0 = tpu.iota {dimensions = array<i32: 1>} : vector<4096x128xi32>
    %jit3A = arith.constant 32 : i32
    %div3A = vector.broadcast %jit3A : i32 to vector<4096x128xi32>
    %div3A_1 = arith.divsi %iota3A, %div3A : vector<4096x128xi32>
    %sign3A = arith.constant 0 : i32
    %sign3A_2 = vector.broadcast %sign3A : i32 to vector<4096x128xi32>
    %sign3A_3 = arith.cmpi sgt, %iota3A, %sign3A_2 : vector<4096x128xi32>
    %sign3A_4 = arith.extui %sign3A_3 : vector<4096x128xi1> to vector<4096x128xi32>
    %sign3A_5 = arith.constant 0 : i32
    %sign3A_6 = vector.broadcast %sign3A_5 : i32 to vector<4096x128xi32>
    %sign3A_7 = arith.cmpi slt, %iota3A, %sign3A_6 : vector<4096x128xi32>
    %sign3A_8 = arith.extui %sign3A_7 : vector<4096x128xi1> to vector<4096x128xi32>
    %sign3A_9 = arith.subi %sign3A_4, %sign3A_8 : vector<4096x128xi32>
    %sign3A_10 = arith.constant 0 : i32
    %sign3A_11 = arith.cmpi sgt, %jit3A, %sign3A_10 : i32
    %sign3A_12 = arith.extui %sign3A_11 : i1 to i32
    %sign3A_13 = arith.constant 0 : i32
    %sign3A_14 = arith.cmpi slt, %jit3A, %sign3A_13 : i32
    %sign3A_15 = arith.extui %sign3A_14 : i1 to i32
    %sign3A_16 = arith.subi %sign3A_12, %sign3A_15 : i32
    %ne3A = vector.broadcast %sign3A_16 : i32 to vector<4096x128xi32>
    %ne3A_17 = arith.cmpi ne, %sign3A_9, %ne3A : vector<4096x128xi32>
    %rem3A = vector.broadcast %jit3A : i32 to vector<4096x128xi32>
    %rem3A_18 = arith.remsi %iota3A, %rem3A : vector<4096x128xi32>
    %ne3A_19 = arith.constant 0 : i32
    %ne3A_20 = vector.broadcast %ne3A_19 : i32 to vector<4096x128xi32>
    %ne3A_21 = arith.cmpi ne, %rem3A_18, %ne3A_20 : vector<4096x128xi32>
    %and3A = arith.andi %ne3A_17, %ne3A_21 : vector<4096x128xi1>
    %sub3A = arith.constant 1 : i32
    %sub3A_22 = vector.broadcast %sub3A : i32 to vector<4096x128xi32>
    %sub3A_23 = arith.subi %div3A_1, %sub3A_22 : vector<4096x128xi32>
    %select_n3A = arith.select %and3A, %sub3A_23, %div3A_1 : vector<4096x128xi1>, vector<4096x128xi32>
    %eq3A = arith.cmpi eq, %select_n3A, %iota3A_0 : vector<4096x128xi32>
    %convert_element_type3A = arith.extui %eq3A : vector<4096x128xi1> to vector<4096x128xi32>
    %convert_element_type3A_24 = arith.sitofp %convert_element_type3A : vector<4096x128xi32> to vector<4096x128xf32>
    %get3A = arith.constant 0 : index
    %get3A_25 = arith.constant 0 : index
    %get3A_26 = vector.load %arg1[%get3A, %get3A_25] : memref<504x4096xf32, #tpu.memory_space<vmem>>, vector<504x4096xf32>
    %log3A = math.log %get3A_26 : vector<504x4096xf32>
    %dot_general3A = arith.constant dense<0.000000e+00> : vector<504x128xf32>
    %dot_general3A_27 = tpu.matmul %log3A, %convert_element_type3A_24, %dot_general3A {dimension_numbers = #tpu.dot_dimension_numbers<[1], [0], [0], [1], [0, 0, 1, 1], [], []>, transpose_lhs_hint = false} : vector<504x4096xf32>, vector<4096x128xf32>, vector<504x128xf32> -> vector<504x128xf32>
    %exp3A = math.exp %dot_general3A_27 : vector<504x128xf32>
    %swap3A = arith.constant 0 : index
    %swap3A_28 = arith.constant 0 : index
    %swap3A_29 = vector.load %arg2[%swap3A, %swap3A_28] : memref<504x128xf32, #tpu.memory_space<vmem>>, vector<504x128xf32>
    tpu.vector_store %arg2[%swap3A, %swap3A_28], %exp3A {strides = array<i32>} : memref<504x128xf32, #tpu.memory_space<vmem>>, vector<504x128xf32>,
    return
  }
  func.func @transform_0(%arg0: i32) -> (i32, i32) {
    %c0_i32 = arith.constant 0 : i32
    %c0_i32_0 = arith.constant 0 : i32
    return %c0_i32, %arg0 : i32, i32
  }
  func.func @transform_1(%arg0: i32) -> (i32, i32) {
    %c0_i32 = arith.constant 0 : i32
    %c0_i32_0 = arith.constant 0 : i32
    return %c0_i32, %arg0 : i32, i32
  }
}

</mosaic_0001>

<sc_bundles>
// kernel: kernel.4.cloned.1.call-start
scs
__scs_entry_jumppad:
0x0: {  	(pc) =	sbr.rel $0x88, $3  }
0x1: {  	(tag) =	ssettag $0x0;
	lr =	simm.s32 $0x1  }
0x2: {  	[smem:$0x3FA0] =	sst lr;
	_ =	strace $0xD0000000  }
0x3: {  	_ = 	snop  }
0x4: {  	_ = 	snop  }
0x5: {  	_ = 	snop  }
0x6: {  	_ = 	snop  }
0x7: {  	_ = 	snop  }
__scs_overlays_trampoline_lowered:
0x8: {  	[smem:$0x3FAF] =	sst s0  }
0x9: {  	[smem:$0x3FB0] =	sst s1  }
0xa: {  	[smem:$0x3FB1] =	sst s2  }
0xb: {  	[smem:$0x3FB2] =	sst s3  }
0xc: {  	[smem:$0x3FB3] =	sst s4  }
0xd: {  	[smem:$0x3FB4] =	sst s5  }
0xe: {  	[smem:$0x3FB5] =	sst s6  }
0xf: {  	[smem:$0x3FB6] =	sst s7  }
0x10: {  	[smem:$0x3FB7] =	sst s8  }
0x11: {  	[smem:$0x3FB8] =	sst s9;
	s0 =	simm.s32 @!p0 $0x0  }
0x12: {  	s1 =	sld [smem:$0x3F9E];
	s0 =	simm.s32 @p0 $0x1  }
0x13: {  	[smem:$0x3FB9] =	sst s0;
	s0 =	simm.s32 @!p1 $0x0  }
0x14: {  	s2 =	sld [smem:$0x3F9D];
	s0 =	simm.s32 @p1 $0x1  }
0x15: {  	[smem:$0x3FBA] =	sst s0;
	s0 =	simm.s32 @!p2 $0x0  }
0x16: {  	s3 =	sld [smem:$0x3FDB];
	s0 =	simm.s32 @p2 $0x1  }
0x17: {  	s4 =	simm.s32 $0x1BF5;
	[smem:$0x3FBC] =	sst s0  }
0x18: {  	s0 =	sld [smem:$0x3F9F];
	_ =	swait.ge [sflag:s4], $0x0  }
0x19: {  	s7 =	sld [smem:$0x3FA0]  }
0x1a: {  	s8 =	sadd.s32 $0xFFFFE003, lr  }
0x1b: {  	s9 =	sadd.s32 $0xFFFFFEF7, lr;
	s5 =	simm.s32 $0xFFFFFFFF;
	p2 =	slt.u32 s8, $0xFFFFF086  }
0x1c: {  	p1 =	slt.u32 s9, $0xF7A;
	s5 =	simm.s32 @!p2 $0x0  }
0x1d: {  	s5 =	simm.s32 @p1 $0x1;
	p0 =	seq.s32 s7, s2  }
0x1e: {  	s7 =	smul.u32 @!p0 $0xF7A, s2;
	p2 =	seq.s32 @!p0 s5, $0x0  }
0x1f: {  	s9 =	smul.u32 $0xF7A, s1;
	s8 =	simm.s32 @!p0 $0x1BF5;
	p2 =	por !p2, p0  }
0x20: {  	[sflag:s8] =	ssyncset.s32 @!p0 $0xFFFFF086;
	s6 =	sadd.s32 @!p0 s3, s7;
	s7 =	simm.s32 @!p0 $0x108  }
0x21: {  	s3 =	sadd.s32 s3, s9;
	s6 =	sadd.s32 @!p0 $0x88, s6;
	s7 =	simm.s32 @p2 $0x1082  }
0x22: {  	[simem:s7], [sflag:s8] =	dma.local @!p0 [hbm:s6], $0xF7A  }
0x23: {  	s9 =	sor.u32 $0xD0000000, s2;
	s6 =	simm.s32 $0x108;
	_ =	swait.ge @!p0 [sflag:s8], $0x0  }
0x24: {  	s3 =	sadd.s32 $0x88, s3;
	s6 =	simm.s32 @!p1 $0x1082;
	[sflag:s4] =	ssyncset.s32 $0xFFFFF086  }
0x25: {  	[simem:s6], [sflag:s4] =	dma.local [hbm:s3], $0xF7A  }
0x26: {  	[smem:$0x3FA0] =	sst s1;
	(tag) =	ssettag s2;
	_ =	strace s9  }
0x27: {  	s1 =	sld [smem:$0x3FB0]  }
0x28: {  	s2 =	sld [smem:$0x3FB1]  }
0x29: {  	s4 =	sld [smem:$0x3FB3]  }
0x2a: {  	p0 =	seq.s32 s5, $0x0;
	s5 =	sld [smem:$0x3FB4]  }
0x2b: {  	s6 =	sld [smem:$0x3FB5]  }
0x2c: {  	s7 =	sld [smem:$0x3FB6]  }
0x2d: {  	s3 =	simm.s32 $0x108;
	s8 =	sld [smem:$0x3FB7]  }
0x2e: {  	s3 =	simm.s32 @!p0 $0x1082;
	s9 =	sld [smem:$0x3FB8]  }
0x2f: {  	lr =	sadd.s32 s0, s3;
	s0 =	sld [smem:$0x3FAF]  }
0x30: {  	s3 =	sld [smem:$0x3FB2]  }
0x31: {  	[smem:$0x3FBB] =	sst s10  }
0x32: {  	s10 =	sld [smem:$0x3FB9];
	_ =	sdelay $0x3  }
0x33: {  	p0 =	seq.s32 s10, $0x1;
	s10 =	sld [smem:$0x3FBB];
	_ =	sdelay $0x3  }
0x34: {  	[smem:$0x3FBB] =	sst s10  }
0x35: {  	s10 =	sld [smem:$0x3FBA];
	_ =	sdelay $0x3  }
0x36: {  	p1 =	seq.s32 s10, $0x1;
	s10 =	sld [smem:$0x3FBB];
	_ =	sdelay $0x3  }
0x37: {  	[smem:$0x3FBB] =	sst s10  }
0x38: {  	s10 =	sld [smem:$0x3FBC]  }
0x39: {  	_ = 	snop;
	(pc) =	sbr.ind lr, $3  }
0x3a: {  	_ = 	snop  }
0x3b: {  	_ = 	snop  }
0x3c: {  	p2 =	seq.s32 s10, $0x1;
	s10 =	sld [smem:$0x3FBB]  }
0x3d: {  	_ =	shalt  }
0x3e: {  	_ =	shalt  }
0x3f: {  	_ =	shalt  }
0x40: {  	_ =	shalt  }
0x41: {  	_ =	shalt  }
0x42: {  	_ =	shalt  }
0x43: {  	_ =	shalt  }
0x44: {  	_ =	shalt  }
0x45: {  	_ =	shalt  }
0x46: {  	_ =	shalt  }
0x47: {  	_ =	shalt  }
0x48: {  	_ =	shalt  }
0x49: {  	_ =	shalt  }
0x4a: {  	_ =	shalt  }
0x4b: {  	_ =	shalt  }
0x4c: {  	_ =	shalt  }
0x4d: {  	_ =	shalt  }
0x4e: {  	_ =	shalt  }
0x4f: {  	_ =	shalt  }
0x50: {  	_ =	shalt  }
0x51: {  	_ =	shalt  }
0x52: {  	_ =	shalt  }
0x53: {  	_ =	shalt  }
0x54: {  	_ =	shalt  }
0x55: {  	_ =	shalt  }
0x56: {  	_ =	shalt  }
0x57: {  	_ =	shalt  }
0x58: {  	_ =	shalt  }
0x59: {  	_ =	shalt  }
0x5a: {  	_ =	shalt  }
0x5b: {  	_ =	shalt  }
0x5c: {  	_ =	shalt  }
0x5d: {  	_ =	shalt  }
0x5e: {  	_ =	shalt  }
0x5f: {  	_ =	shalt  }
0x60: {  	_ =	shalt  }
0x61: {  	_ =	shalt  }
0x62: {  	_ =	shalt  }
0x63: {  	_ =	shalt  }
0x64: {  	_ =	shalt  }
0x65: {  	_ =	shalt  }
0x66: {  	_ =	shalt  }
0x67: {  	_ =	shalt  }
0x68: {  	_ =	shalt  }
0x69: {  	_ =	shalt  }
0x6a: {  	_ =	shalt  }
0x6b: {  	_ =	shalt  }
0x6c: {  	_ =	shalt  }
0x6d: {  	_ =	shalt  }
0x6e: {  	_ =	shalt  }
0x6f: {  	_ =	shalt  }
0x70: {  	_ =	shalt  }
0x71: {  	_ =	shalt  }
0x72: {  	_ =	shalt  }
0x73: {  	_ =	shalt  }
0x74: {  	_ =	shalt  }
0x75: {  	_ =	shalt  }
0x76: {  	_ =	shalt  }
0x77: {  	_ =	shalt  }
0x78: {  	_ =	shalt  }
0x79: {  	_ =	shalt  }
0x7a: {  	_ =	shalt  }
0x7b: {  	_ =	shalt  }
0x7c: {  	_ =	shalt  }
0x7d: {  	_ =	shalt  }
0x7e: {  	_ =	shalt  }
0x7f: {  	_ =	shalt  }
0x80: {  	_ =	shalt  }
0x81: {  	_ =	shalt  }
0x82: {  	_ =	shalt  }
0x83: {  	_ =	shalt  }
0x84: {  	_ =	shalt  }
0x85: {  	_ =	shalt  }
0x86: {  	_ =	shalt  }
0x87: {  	_ =	shalt  }
.Lfunc_end0:
.L_simem_size_0:
called_computation_lowered:
.L_overlay_start_0:
0x88: {  	s2 =	sld [smem:$0x3FD9]  }
0x89: {  	s3 =	sld [smem:$0x3FFE];
	_ =	sdelay $0x1  }
0x8a: {  	s1 =	srdreg.scid  }
0x8b: {  	s0 =	sand.u32 $0x1, s1  }
0x8c: {  	s17 =	sshll.u32 s0, $0xA;
	s2 =	sadd.s32 s3, s2  }
0x8d: {  	s2 =	sadd.s32 s2, s17  }
0x8e: {  	[smem:$0x3FC7] =	sst s2  }
0x8f: {  	_ = 	snop  }
0x90: {  	s2 =	sld [smem:$0x3FD0];
	(tm) =	ssettm $0x1  }
0x91: {  	s18 =	sld [smem:$0x3FFB];
	_ =	sdelay $0x3  }
0x92: {  	_ =	strace s18  }
0x93: {  	s3 =	sld [smem:$0x3FFC];
	_ =	sdelay $0x3  }
0x94: {  	_ =	strace s3  }
0x95: {  	s3 =	sld [smem:$0x3FFD];
	_ =	sdelay $0x3  }
0x96: {  	_ =	strace s3  }
0x97: {  	_ =	strace $0x8FFFFFFF  }
0x98: {  	s19 =	sld [smem:$0x3FDB];
	_ =	sdelay $0x1  }
0x99: {  	s4 =	simm.s32 $_scs_section_size  }
0x9a: {  	s5 =	simm.s32 $_size__tile_overlayer_lowered;
	s6 =	simm.s32 $_tile_overlayer_lowered  }
0x9b: {  	s22 =	simm.s32 $0x1BFF;
	s21 =	sshll.u32 s6, $0x1;
	s3 =	sadd.s32 s4, s19  }
0x9c: {  	s7 =	simm.s32 $0x0;
	s20 =	sshll.u32 s5, $0x1;
	s5 =	sadd.s32 s21, s3  }
0x9d: {  	[timem:s7], [sflag:s22] =	dma.local [hbm:s5], s20  }
0x9e: {  	_ =	swait.ge [sflag:s22], s20  }
0x9f: {  	s4 =	ssub.s32 $0x0, s20;
	[sflag:s22] =	ssyncset.done $0x0  }
0xa0: {  	[sflag:s22] =	ssyncadd.s32 s4;
	_ =	sdelay $0x1  }
0xa1: {  	s23 =	simm.s32 $0x1B8B  }
0xa2: {  	_ =	swait.ge [sflag:s23], $0x1  }
0xa3: {  	[sflag:s23] =	ssyncset.done $0x0  }
0xa4: {  	s25 =	simm.s32 $0x1B8E;
	s24 =	sld [smem:$0x3FFE];
	[sflag:s23] =	ssyncadd.s32 $0xFFFFFFFF  }
0xa5: {  	s26 =	simm.s32 $execute0_lowered;
	[smem:$0x3FD2] =	sst s25  }
0xa6: {  	s5 =	sshll.u32 s26, $0x1;
	_ =	strace $0x80000046;
	[dreg:$0x1] =	wrdreg $0xFFFFFFFF  }
0xa7: {  	s28 =	simm.s32 $_size_execute0_lowered;
	s3 =	sadd.s32 s3, s5;
	[dreg:$0x0] =	wrdreg $0x0  }
0xa8: {  	s5 =	sshll.u32 s28, $0x1;
	[dreg:$0x2] =	wrdreg s3  }
0xa9: {  	[dreg:$0x3] =	wrdreg s5  }
0xaa: {  	[dreg:$0x4] =	wrdreg $0xC0  }
0xab: {  	_ =	task [dreg:s7], $0x5FFFF  }
0xac: {  	[dreg:$0x1] =	wrdreg $0xFFFFFFFF  }
0xad: {  	[dreg:$0x0] =	wrdreg $0x60  }
0xae: {  	[dreg:$0x2] =	wrdreg s2  }
0xaf: {  	[dreg:$0x3] =	wrdreg s24  }
0xb0: {  	[dreg:$0x4] =	wrdreg $0x9  }
0xb1: {  	_ =	task.clear_ibuf [dreg:s7], $0x5FFFF;
	_ =	strace $0x90000046  }
0xb2: {  	s29 =	simm.s32 $0x9;
	_ =	strace $0x80000048  }
0xb3: {  	_ =	swait.ge [sflag:s29], $0x1  }
0xb4: {  	[sflag:s29] =	ssyncadd.s32 $0xFFFFFFFF  }
0xb5: {  	_ =	strace $0x90000048  }
0xb6: {  	_ =	sfence  }
0xb7: {  	s30 =	sld [smem:$0x0];
	_ =	sdelay $0x2  }
0xb8: {  	s31 =	sshll.u32 s1, $0xD;
	s1 =	sshrl.u32 s1, $0x2  }
0xb9: {  	s3 =	sand.u32 $0x4000, s31;
	s1 =	sadd.s32 s1, s30  }
0xba: {  	s0 =	sor.u32 s3, s0;
	s1 =	sshll.u32 s1, $0x11  }
0xbb: {  	s0 =	sor.u32 s1, s0  }
0xbc: {  	s0 =	sadd.s32 $0x8F2B, s0  }
0xbd: {  	[sflag:s0] =	ssyncadd.remote.s32 $0x1  }
0xbe: {  	_ =	sfence.sel $0xFFFF  }
0xbf: {  	[dreg:$0x0] =	wrdreg $0xFFFFFFFF;
	(pc) =	sbr.abs _section_cstart, $3  }
0xc0: {  	[dreg:$0x1] =	wrdreg $0xFFFFFFFF  }
0xc1: {  	_ =	task.clear_ibuf [dreg:s7], $0x2FFFF;
	_ =	strace $0x9FFFFFFF  }
0xc2: {  	(tm) =	ssettm $0x7FFFFFFF  }
0xc3: {  	_ =	shalt  }
tec
execute0_lowered:
.L_overlay_start_1:
0x0: {  	(tag) =	ssettag $0x1  }
0x1: {  	v0 =	vlaneseq.u32;
	v11 =	vimm.s32 $0x74533211;
	v13 =	vimm.s32 $0xF8D7B695  }
0x2: {  	vm8 =	vcmask $0xF00;
	vm7 =	vcmask $0x1F10;
	vm6 =	vcmask $0x2320  }
0x3: {  	vm4 =	vcmask $0x2724;
	vm3 =	vcmask $0x2B28;
	v17 =	vimm.s32 $0x75543312  }
0x4: {  	vm1 =	vcmask $0x2F2C;
	v19 =	vimm.s32 $0xF9D8B796;
	vm0 =	vcmask $0x3330  }
0x5: {  	v20 =	vimm.s32 $0x76553413;
	v21 =	vimm.s32 $0xFAD9B897;
	vm2 =	vcmask $0x3734  }
0x6: {  	vm5 =	vcmask $0x3B38;
	v22 =	vimm.s32 $0x78573615;
	v23 =	vimm.s32 $0x79583716  }
0x7: {  	v24 =	vimm.s32 $0xFDDCBB9A;
	v25 =	vimm.s32 $0x7B5A3918;
	v26 =	vimm.s32 $0xE0DFBE9D  }
0x8: {  	v27 =	vimm.s32 $0xE1C0BF9E;
	v28 =	vimm.s32 $0x7E5D3C1B;
	v29 =	vimm.s32 $0xE2C1A09F  }
0x9: {  	v30 =	vimm.s32 $0xE3C2A180;
	v31 =	vimm.s32 $0xE4C3A281;
	v32 =	vimm.s32 $0xE6C5A483  }
0xa: {  	v0 =	vmul.u32 $0x21, v0;
	v14 =	vunpack.c.0.s8.s32 v11;
	v15 =	vunpack.c.0.s8.s32 v13  }
0xb: {  	v17 =	vunpack.c.0.s8.s32 v17;
	v19 =	vunpack.c.0.s8.s32 v19;
	v20 =	vunpack.c.0.s8.s32 v20  }
0xc: {  	v23 =	vunpack.c.0.s8.s32 v23;
	v26 =	vunpack.c.0.s8.s32 v26;
	v27 =	vunpack.c.0.s8.s32 v27  }
0xd: {  	v28 =	vunpack.c.0.s8.s32 v28;
	v29 =	vunpack.c.0.s8.s32 v29;
	v31 =	vunpack.c.0.s8.s32 v31  }
0xe: {  	v32 =	vunpack.c.0.s8.s32 v32;
	v1 =	vadd.s32 $0x1, v0;
	v2 =	vadd.s32 $0x2, v0  }
0xf: {  	v3 =	vadd.s32 $0x3, v0;
	v4 =	vadd.s32 $0x4, v0;
	v5 =	vadd.s32 $0x5, v0  }
0x10: {  	v6 =	vadd.s32 $0x6, v0;
	v7 =	vadd.s32 $0x7, v0;
	v8 =	vadd.s32 $0x8, v0  }
0x11: {  	v9 =	vadd.s32 $0x9, v0;
	v10 =	vadd.s32 $0xA, v0;
	v11 =	vadd.s32 $0xB, v0  }
0x12: {  	v12 =	vadd.s32 $0xC, v0;
	v13 =	vadd.s32 $0xD, v0;
	v14 =	vand.u32 $0xFF, v14  }
0x13: {  	v15 =	vand.u32 $0xFF, v15;
	v17 =	vand.u32 $0xFF, v17;
	v19 =	vand.u32 $0xFF, v19  }
0x14: {  	v20 =	vand.u32 $0xFF, v20;
	v23 =	vand.u32 $0xFF, v23;
	v26 =	vand.u32 $0xFF, v26  }
0x15: {  	v27 =	vand.u32 $0xFF, v27;
	v28 =	vand.u32 $0xFF, v28;
	v29 =	vand.u32 $0xFF, v29  }
0x16: {  	v32 =	vand.u32 $0xFF, v32;
	v16 =	vnsel vm8, $0x1E0, v14;
	v14 =	vadd.s32 $0xE, v0  }
0x17: {  	v17 =	vnsel vm8, $0x1E1, v17;
	v20 =	vnsel vm8, $0x1E2, v20;
	v16 =	vsel vm7, v15, v16  }
0x18: {  	v17 =	vsel vm7, v19, v17;
	v19 =	vunpack.c.0.s8.s32 v21;
	v16 =	vsel vm6, $0x119, v16  }
0x19: {  	v23 =	vnsel vm8, $0x1E5, v23;
	v17 =	vsel vm6, $0x11A, v17;
	v16 =	vsel vm4, $0x13A, v16  }
0x1a: {  	v17 =	vsel vm4, $0x13B, v17;
	v19 =	vand.u32 $0xFF, v19;
	v18 =	vsel vm3, $0x15B, v16  }
0x1b: {  	v21 =	vsel vm3, $0x15C, v17;
	v19 =	vsel vm7, v19, v20;
	v18 =	vsel vm1, $0x17C, v18  }
0x1c: {  	v20 =	vimm.s32 $0x77563514;
	v19 =	vsel vm6, $0x11B, v19;
	v18 =	vsel vm0, $0x19D, v18  }
0x1d: {  	v20 =	vunpack.c.0.s8.s32 v20;
	v19 =	vsel vm4, $0x13C, v19;
	v18 =	vsel vm2, $0x1BE, v18  }
0x1e: {  	v17 =	vsel vm5, $0x1DF, v18;
	v18 =	vsel vm1, $0x17D, v21;
	v21 =	vimm.s32 $0xFBDAB998  }
0x1f: {  	v15 =	vadd.s32 $0xF, v0;
	v19 =	vsel vm3, $0x15D, v19;
	v21 =	vunpack.c.0.s8.s32 v21  }
0x20: {  	v16 =	vadd.s32 $0x10, v0;
	v20 =	vand.u32 $0xFF, v20;
	v19 =	vsel vm1, $0x17E, v19  }
0x21: {  	v20 =	vnsel vm8, $0x1E3, v20;
	v18 =	vsel vm0, $0x19E, v18;
	v21 =	vand.u32 $0xFF, v21  }
0x22: {  	v20 =	vsel vm7, v21, v20;
	v21 =	vunpack.c.0.s8.s32 v22;
	v22 =	vimm.s32 $0xFCDBBA99  }
0x23: {  	v19 =	vsel vm0, $0x19F, v19;
	v18 =	vsel vm2, $0x1BF, v18;
	v22 =	vunpack.c.0.s8.s32 v22  }
0x24: {  	v19 =	vsel vm2, $0x1A0, v19;
	v20 =	vsel vm6, $0x11C, v20;
	v21 =	vand.u32 $0xFF, v21  }
0x25: {  	v20 =	vsel vm4, $0x13D, v20;
	v21 =	vnsel vm8, $0x1E4, v21;
	v22 =	vand.u32 $0xFF, v22  }
0x26: {  	v20 =	vsel vm3, $0x15E, v20;
	v21 =	vsel vm7, v22, v21;
	v22 =	vunpack.c.0.s8.s32 v24  }
0x27: {  	v18 =	vsel vm5, $0x1C0, v18;
	v20 =	vsel vm1, $0x17F, v20;
	v24 =	vimm.s32 $0xFEDDBC9B  }
0x28: {  	v20 =	vsel vm0, $0x180, v20;
	v21 =	vsel vm6, $0x11D, v21;
	v22 =	vand.u32 $0xFF, v22  }
0x29: {  	v24 =	vunpack.c.0.s8.s32 v24;
	v22 =	vsel vm7, v22, v23;
	v23 =	vimm.s32 $0x7A593817  }
0x2a: {  	v21 =	vsel vm4, $0x13E, v21;
	v20 =	vsel vm2, $0x1A1, v20;
	v23 =	vunpack.c.0.s8.s32 v23  }
0x2b: {  	v19 =	vsel vm5, $0x1C1, v19;
	v21 =	vsel vm3, $0x15F, v21;
	v20 =	vsel vm5, $0x1C2, v20  }
0x2c: {  	v24 =	vand.u32 $0xFF, v24;
	v22 =	vsel vm6, $0x11E, v22;
	v23 =	vand.u32 $0xFF, v23  }
0x2d: {  	v21 =	vsel vm1, $0x160, v21;
	v22 =	vsel vm4, $0x13F, v22;
	v23 =	vnsel vm8, $0x1E6, v23  }
0x2e: {  	v23 =	vsel vm7, v24, v23;
	v24 =	vunpack.c.0.s8.s32 v25;
	v25 =	vimm.s32 $0xFFDEBD9C  }
0x2f: {  	v21 =	vsel vm0, $0x181, v21;
	v22 =	vsel vm3, $0x140, v22;
	v25 =	vunpack.c.0.s8.s32 v25  }
0x30: {  	v21 =	vsel vm2, $0x1A2, v21;
	v22 =	vsel vm1, $0x161, v22;
	v24 =	vand.u32 $0xFF, v24  }
0x31: {  	v22 =	vsel vm0, $0x182, v22;
	v24 =	vnsel vm8, $0x1E7, v24;
	v25 =	vand.u32 $0xFF, v25  }
0x32: {  	v23 =	vsel vm6, $0x11F, v23;
	v24 =	vsel vm7, v25, v24;
	v25 =	vimm.s32 $0x7C5B3A19  }
0x33: {  	v22 =	vsel vm2, $0x1A3, v22;
	v23 =	vsel vm4, $0x120, v23;
	v25 =	vunpack.c.0.s8.s32 v25  }
0x34: {  	v21 =	vsel vm5, $0x1C3, v21;
	v22 =	vsel vm5, $0x1C4, v22;
	v23 =	vsel vm3, $0x141, v23  }
0x35: {  	v23 =	vsel vm1, $0x162, v23;
	v24 =	vsel vm6, $0x100, v24;
	v25 =	vand.u32 $0xFF, v25  }
0x36: {  	v23 =	vsel vm0, $0x183, v23;
	v24 =	vsel vm4, $0x121, v24;
	v25 =	vnsel vm8, $0x1E8, v25  }
0x37: {  	v23 =	vsel vm2, $0x1A4, v23;
	v25 =	vsel vm7, v26, v25;
	v26 =	vimm.s32 $0x7D5C3B1A  }
0x38: {  	v24 =	vsel vm3, $0x142, v24;
	v25 =	vsel vm6, $0x101, v25;
	v26 =	vunpack.c.0.s8.s32 v26  }
0x39: {  	v23 =	vsel vm5, $0x1C5, v23;
	v24 =	vsel vm1, $0x163, v24;
	v25 =	vsel vm4, $0x122, v25  }
0x3a: {  	v24 =	vsel vm0, $0x184, v24;
	v25 =	vsel vm3, $0x143, v25;
	v26 =	vand.u32 $0xFF, v26  }
0x3b: {  	v24 =	vsel vm2, $0x1A5, v24;
	v25 =	vsel vm1, $0x164, v25;
	v26 =	vnsel vm8, $0x1E9, v26  }
0x3c: {  	v26 =	vsel vm7, v27, v26;
	v27 =	vnsel vm8, $0x1EA, v28;
	v28 =	vimm.s32 $0x7F5E3D1C  }
0x3d: {  	v24 =	vsel vm5, $0x1C6, v24;
	v25 =	vsel vm0, $0x185, v25;
	v28 =	vunpack.c.0.s8.s32 v28  }
0x3e: {  	v27 =	vsel vm7, v29, v27;
	v29 =	vunpack.c.0.s8.s32 v30;
	v30 =	vimm.s32 $0x605F3E1D  }
0x3f: {  	v25 =	vsel vm2, $0x1A6, v25;
	v30 =	vunpack.c.0.s8.s32 v30;
	v28 =	vand.u32 $0xFF, v28  }
0x40: {  	v26 =	vsel vm6, $0x102, v26;
	v29 =	vand.u32 $0xFF, v29;
	v28 =	vnsel vm8, $0x1EB, v28  }
0x41: {  	v25 =	vsel vm5, $0x1C7, v25;
	v28 =	vsel vm7, v29, v28;
	v29 =	vand.u32 $0xFF, v30  }
0x42: {  	v30 =	vand.u32 $0xFF, v31;
	v31 =	vimm.s32 $0x61403F1E;
	v29 =	vnsel vm8, $0x1EC, v29  }
0x43: {  	v29 =	vsel vm7, v30, v29;
	v30 =	vunpack.c.0.s8.s32 v31;
	v31 =	vimm.s32 $0xE5C4A382  }
0x44: {  	v26 =	vsel vm4, $0x123, v26;
	v27 =	vsel vm6, $0x103, v27;
	v31 =	vunpack.c.0.s8.s32 v31  }
0x45: {  	v26 =	vsel vm3, $0x144, v26;
	v27 =	vsel vm4, $0x124, v27;
	v30 =	vand.u32 $0xFF, v30  }
0x46: {  	v26 =	vsel vm1, $0x165, v26;
	v30 =	vnsel vm8, $0x1ED, v30;
	v31 =	vand.u32 $0xFF, v31  }
0x47: {  	v27 =	vsel vm3, $0x145, v27;
	v30 =	vsel vm7, v31, v30;
	v31 =	vimm.s32 $0x6241201F  }
0x48: {  	v26 =	vsel vm0, $0x186, v26;
	v27 =	vsel vm1, $0x166, v27;
	v31 =	vunpack.c.0.s8.s32 v31  }
0x49: {  	v26 =	vsel vm2, $0x1A7, v26;
	v28 =	vsel vm6, $0x104, v28;
	v27 =	vsel vm0, $0x187, v27  }
0x4a: {  	v28 =	vsel vm4, $0x125, v28;
	v26 =	vsel vm5, $0x1C8, v26;
	v31 =	vand.u32 $0xFF, v31  }
0x4b: {  	s3 =	rddreg [dreg:$0x0];
	v27 =	vsel vm2, $0x1A8, v27;
	v28 =	vsel vm3, $0x146, v28;
	v31 =	vnsel vm8, $0x1EE, v31  }
0x4c: {  	s4 =	rddreg [dreg:$0x1];
	v27 =	vsel vm5, $0x1C9, v27;
	v29 =	vsel vm6, $0x105, v29;
	v31 =	vsel vm7, v32, v31  }
0x4d: {  	s0 =	rddreg [dreg:$0x2];
	v28 =	vsel vm1, $0x167, v28;
	v29 =	vsel vm4, $0x126, v29;
	v31 =	vsel vm6, $0x107, v31  }
0x4e: {  	s2 =	simm.s32 $0x0;
	s5 =	srdreg.scid;
	s1 =	stileid.u32;
	v28 =	vsel vm0, $0x188, v28;
	v30 =	vsel vm6, $0x106, v30;
	v31 =	vsel vm4, $0x128, v31  }
0x4f: {  	s9 =	simm.s32 $0x0;
	s5 =	sand.u32 $0x1, s5;
	s6 =	sshll.u32 s1, $0x1;
	v29 =	vsel vm3, $0x147, v29;
	v30 =	vsel vm4, $0x127, v30;
	v31 =	vsel vm3, $0x149, v31  }
0x50: {  	[smem:$0x7FF] =	sst s2;
	s6 =	sor.u32 s5, s6;
	s5 =	ssub.s32 $0x2, s5;
	v28 =	vsel vm2, $0x1A9, v28;
	v30 =	vsel vm3, $0x148, v30;
	v31 =	vsel vm1, $0x16A, v31  }
0x51: {  	_ =	strace $0x80000047;
	s7 =	sshll.u32 s6, $0x4;
	s8 =	sshrl.u32 s5, $0x1;
	v29 =	vsel vm1, $0x168, v29;
	v30 =	vsel vm1, $0x169, v30;
	v31 =	vsel vm0, $0x18B, v31  }
0x52: {  	s6 =	sshll.u32 s6, $0x9;
	s4 =	sadd.s32 s7, s4;
	s5 =	ssub.s32 s5, s8;
	v29 =	vsel vm0, $0x189, v29;
	v30 =	vsel vm0, $0x18A, v30;
	v31 =	vsel vm2, $0x1AC, v31  }
0x53: {  	s3 =	sadd.s32 s3, s6;
	s6 =	simm.s32 $0x1;
	s7 =	simm.s32 $0x1000;
	v29 =	vsel vm2, $0x1AA, v29;
	v30 =	vsel vm2, $0x1AB, v30;
	v31 =	vsel vm5, $0x1CD, v31  }
0x54: {  	s8 =	simm.s32 $0x2;
	s4 =	sadd.s32 $0x400, s4;
	s5 =	smax.u32 s5, $0x1;
	v28 =	vsel vm5, $0x1CA, v28;
	v29 =	vsel vm5, $0x1CB, v29;
	v30 =	vsel vm5, $0x1CC, v30;
	[tilespmem:$0x1FFF0] =	vst v31  }
.LBB2_1:
0x55: {  	v32 =	vor.u32 s2, v1  }
0x56: {  	[tilespmem:s2], [sflag:$0x1] =	stream.linear.gather [hbm4b:s3+s2], $0x1000, $0x38;
	v33 =	vor.u32 s2, v0;
	[tilespmem:$0x1080] =	vst v63  }
0x57: {  	v34 =	vor.u32 s2, v2;
	_ =	swait.ge [sflag:s6], $0x1000  }
0x58: {  	v35 =	vor.u32 s2, v3;
	[sflag:s6] =	ssyncset.done $0x0  }
0x59: {  	v36 =	vor.u32 s2, v4;
	[sflag:s6] =	ssyncadd.s32 $0xFFFFF000  }
0x5a: {  	v37 =	vor.u32 s2, v5;
	v32 =	vld.idx.msk [tilespmem:v32+s2+$0x0], $0xffff  }
0x5b: {  	v38 =	vor.u32 s2, v6;
	v33 =	vld.idx.msk [tilespmem:v33+s2+$0x0], $0xffff  }
0x5c: {  	v39 =	vor.u32 s2, v7;
	v34 =	vld.idx.msk [tilespmem:v34+s2+$0x0], $0xffff  }
0x5d: {  	v40 =	vor.u32 s2, v8;
	v35 =	vld.idx.msk [tilespmem:v35+s2+$0x0], $0xffff  }
0x5e: {  	v41 =	vor.u32 s2, v9;
	v36 =	vld.idx.msk [tilespmem:v36+s2+$0x0], $0xffff  }
0x5f: {  	v42 =	vor.u32 s2, v10;
	v37 =	vld.idx.msk [tilespmem:v37+s2+$0x0], $0xffff  }
0x60: {  	v43 =	vor.u32 s2, v11;
	v38 =	vld.idx.msk [tilespmem:v38+s2+$0x0], $0xffff  }
0x61: {  	v44 =	vor.u32 s2, v12;
	v39 =	vld.idx.msk [tilespmem:v39+s2+$0x0], $0xffff  }
0x62: {  	v45 =	vor.u32 s2, v13;
	v40 =	vld.idx.msk [tilespmem:v40+s2+$0x0], $0xffff  }
0x63: {  	v46 =	vor.u32 s2, v14;
	v41 =	vld.idx.msk [tilespmem:v41+s2+$0x0], $0xffff  }
0x64: {  	v47 =	vor.u32 s2, v15;
	v42 =	vld.idx.msk [tilespmem:v42+s2+$0x0], $0xffff  }
0x65: {  	v48 =	vor.u32 s2, v16;
	v43 =	vld.idx.msk [tilespmem:v43+s2+$0x0], $0xffff  }
0x66: {  	v49 =	vor.u32 s2, v17;
	v44 =	vld.idx.msk [tilespmem:v44+s2+$0x0], $0xffff  }
0x67: {  	v50 =	vor.u32 s2, v18;
	v45 =	vld.idx.msk [tilespmem:v45+s2+$0x0], $0xffff  }
0x68: {  	v51 =	vor.u32 s2, v19;
	v46 =	vld.idx.msk [tilespmem:v46+s2+$0x0], $0xffff  }
0x69: {  	v52 =	vor.u32 s2, v20;
	v47 =	vld.idx.msk [tilespmem:v47+s2+$0x0], $0xffff  }
0x6a: {  	v53 =	vor.u32 s2, v21;
	v48 =	vld.idx.msk [tilespmem:v48+s2+$0x0], $0xffff  }
0x6b: {  	v54 =	vor.u32 s2, v22;
	v49 =	vld.idx.msk [tilespmem:v49+s2+$0x0], $0xffff  }
0x6c: {  	v55 =	vor.u32 s2, v23;
	v50 =	vld.idx.msk [tilespmem:v50+s2+$0x0], $0xffff  }
0x6d: {  	v56 =	vor.u32 s2, v24;
	v51 =	vld.idx.msk [tilespmem:v51+s2+$0x0], $0xffff  }
0x6e: {  	v57 =	vor.u32 s2, v25;
	v52 =	vld.idx.msk [tilespmem:v52+s2+$0x0], $0xffff  }
0x6f: {  	v58 =	vor.u32 s2, v26;
	v53 =	vld.idx.msk [tilespmem:v53+s2+$0x0], $0xffff  }
0x70: {  	v59 =	vor.u32 s2, v27;
	v54 =	vld.idx.msk [tilespmem:v54+s2+$0x0], $0xffff  }
0x71: {  	v60 =	vor.u32 s2, v28;
	v55 =	vld.idx.msk [tilespmem:v55+s2+$0x0], $0xffff  }
0x72: {  	v61 =	vor.u32 s2, v29;
	v56 =	vld.idx.msk [tilespmem:v56+s2+$0x0], $0xffff  }
0x73: {  	v62 =	vor.u32 s2, v30;
	v57 =	vld.idx.msk [tilespmem:v57+s2+$0x0], $0xffff  }
0x74: {  	v63 =	vor.u32 s2, v31;
	v58 =	vld.idx.msk [tilespmem:v58+s2+$0x0], $0xffff  }
0x75: {  	v59 =	vld.idx.msk [tilespmem:v59+s2+$0x0], $0xffff;
	v32 =	vmul.f32 v32, v33;
	v33 =	vmul.f32 v35, v34  }
0x76: {  	v34 =	vld.idx.msk [tilespmem:v60+s2+$0x0], $0xffff;
	v35 =	vmul.f32 v37, v36;
	v36 =	vmul.f32 v39, v38  }
0x77: {  	v37 =	vld.idx.msk [tilespmem:v61+s2+$0x0], $0xffff;
	v38 =	vmul.f32 v41, v40;
	v39 =	vmul.f32 v43, v42  }
0x78: {  	v40 =	vld.idx.msk [tilespmem:v62+s2+$0x0], $0xffff;
	v60 =	vmul.f32 v45, v44;
	v61 =	vmul.f32 v47, v46  }
0x79: {  	v62 =	vld.idx.msk [tilespmem:v63+s2+$0x0], $0xffff;
	v49 =	vmul.f32 v49, v48;
	v51 =	vmul.f32 v51, v50  }
0x7a: {  	v53 =	vmul.f32 v53, v52;
	v55 =	vmul.f32 v55, v54  }
0x7b: {  	v57 =	vmul.f32 v57, v56;
	v59 =	vmul.f32 v59, v58  }
0x7c: {  	v32 =	vmul.f32 v33, v32;
	v33 =	vmul.f32 v36, v35  }
0x7d: {  	v35 =	vmul.f32 v39, v38;
	v63 =	vmul.f32 v61, v60  }
0x7e: {  	v34 =	vmul.f32 v37, v34;
	v60 =	vmul.f32 v62, v40  }
0x7f: {  	v38 =	vmul.f32 v51, v49;
	v61 =	vmul.f32 v55, v53  }
0x80: {  	v62 =	vmul.f32 v59, v57;
	v34 =	vmul.f32 v60, v34  }
0x81: {  	v32 =	vmul.f32 v33, v32;
	v63 =	vmul.f32 v63, v35  }
0x82: {  	v41 =	vmul.f32 v61, v38;
	v34 =	vmul.f32 v34, v62  }
0x83: {  	s10 =	simm.s32 $0x200  }
0x84: {  	v42 =	vor.u32 s10, v1;
	v32 =	vmul.f32 v63, v32;
	v43 =	vmul.f32 v34, v41  }
0x85: {  	v44 =	vor.u32 s10, v0  }
0x86: {  	v45 =	vor.u32 s10, v2;
	v32 =	vmul.f32 v43, v32  }
0x87: {  	v46 =	vor.u32 s10, v3  }
0x88: {  	v47 =	vor.u32 s10, v4;
	[tilespmem:s7+$0x0] =	vst v32  }
0x89: {  	v48 =	vor.u32 s10, v5;
	v32 =	vld.idx.msk [tilespmem:v42+s2+$0x0], $0xffff  }
0x8a: {  	v49 =	vor.u32 s10, v6;
	v33 =	vld.idx.msk [tilespmem:v44+s2+$0x0], $0xffff  }
0x8b: {  	v50 =	vor.u32 s10, v7;
	v34 =	vld.idx.msk [tilespmem:v45+s2+$0x0], $0xffff  }
0x8c: {  	v51 =	vor.u32 s10, v8;
	v35 =	vld.idx.msk [tilespmem:v46+s2+$0x0], $0xffff  }
0x8d: {  	v52 =	vor.u32 s10, v9;
	v36 =	vld.idx.msk [tilespmem:v47+s2+$0x0], $0xffff  }
0x8e: {  	v53 =	vor.u32 s10, v10;
	v37 =	vld.idx.msk [tilespmem:v48+s2+$0x0], $0xffff  }
0x8f: {  	v54 =	vor.u32 s10, v11;
	v38 =	vld.idx.msk [tilespmem:v49+s2+$0x0], $0xffff  }
0x90: {  	v55 =	vor.u32 s10, v12;
	v39 =	vld.idx.msk [tilespmem:v50+s2+$0x0], $0xffff  }
0x91: {  	v56 =	vor.u32 s10, v13;
	v40 =	vld.idx.msk [tilespmem:v51+s2+$0x0], $0xffff  }
0x92: {  	v57 =	vor.u32 s10, v14;
	v41 =	vld.idx.msk [tilespmem:v52+s2+$0x0], $0xffff  }
0x93: {  	v58 =	vor.u32 s10, v15;
	v42 =	vld.idx.msk [tilespmem:v53+s2+$0x0], $0xffff  }
0x94: {  	v59 =	vor.u32 s10, v16;
	v43 =	vld.idx.msk [tilespmem:v54+s2+$0x0], $0xffff  }
0x95: {  	v60 =	vor.u32 s10, v17;
	v44 =	vld.idx.msk [tilespmem:v55+s2+$0x0], $0xffff  }
0x96: {  	v61 =	vor.u32 s10, v18;
	v46 =	vld.idx.msk [tilespmem:v56+s2+$0x0], $0xffff  }
0x97: {  	v63 =	vor.u32 s10, v21;
	v47 =	vld.idx.msk [tilespmem:v57+s2+$0x0], $0xffff  }
0x98: {  	v62 =	vor.u32 s10, v19;
	v50 =	vld.idx.msk [tilespmem:v58+s2+$0x0], $0xffff  }
0x99: {  	v45 =	vld.idx.msk [tilespmem:v59+s2+$0x0], $0xffff  }
0x9a: {  	v54 =	vor.u32 s10, v20;
	v48 =	vld.idx.msk [tilespmem:v60+s2+$0x0], $0xffff  }
0x9b: {  	v60 =	vor.u32 s10, v22;
	v49 =	vld.idx.msk [tilespmem:v61+s2+$0x0], $0xffff  }
0x9c: {  	v61 =	vor.u32 s10, v23;
	v53 =	vld.idx.msk [tilespmem:v63+s2+$0x0], $0xffff;
	v63 =	vor.u32 s10, v26  }
0x9d: {  	v51 =	vld.idx.msk [tilespmem:v62+s2+$0x0], $0xffff;
	v62 =	vor.u32 s10, v24;
	[tilespmem:$0x1FFE0] =	vst v63  }
0x9e: {  	v59 =	vor.u32 s10, v25;
	v58 =	vld [tilespmem:$0x1FFE0]  }
0x9f: {  	v52 =	vld.idx.msk [tilespmem:v54+s2+$0x0], $0xffff  }
0xa0: {  	v54 =	vld.idx.msk [tilespmem:v60+s2+$0x0], $0xffff  }
0xa1: {  	v55 =	vld.idx.msk [tilespmem:v61+s2+$0x0], $0xffff  }
0xa2: {  	v63 =	vor.u32 s10, v27;
	v56 =	vld.idx.msk [tilespmem:v62+s2+$0x0], $0xffff;
	v62 =	vor.u32 s10, v28  }
0xa3: {  	v57 =	vld.idx.msk [tilespmem:v59+s2+$0x0], $0xffff;
	v61 =	vor.u32 s10, v29;
	v60 =	vor.u32 s10, v30;
	v59 =	vor.u32 s10, v31;
	v31 =	vmovc v30  }
0xa4: {  	v30 =	vmovc v29;
	v29 =	vmovc v28;
	v28 =	vmov v27;
	v27 =	vmov v26;
	v26 =	vmov v25  }
0xa5: {  	v25 =	vmovc v24;
	v24 =	vmovc v23;
	v23 =	vmov v22;
	v22 =	vmov v21;
	v21 =	vmov v20  }
0xa6: {  	v20 =	vmovc v19;
	v19 =	vmovc v18;
	v18 =	vmov v17;
	v17 =	vmov v16;
	v16 =	vmov v15  }
0xa7: {  	v15 =	vmovc v14;
	v14 =	vmovc v13;
	v13 =	vmov v12;
	v12 =	vmov v11;
	v11 =	vmov v10  }
0xa8: {  	v10 =	vmovc v9;
	v9 =	vmovc v8;
	v8 =	vmov v7;
	v7 =	vmov v6;
	v6 =	vmov v5  }
0xa9: {  	s11 =	simm.s32 $0x400;
	s10 =	simm.s32 $0x1000;
	v5 =	vmovc v4;
	v4 =	vmovc v3;
	v3 =	vmov v2;
	v2 =	vmov v1;
	v1 =	vmov v0;
	v58 =	vld.idx.msk [tilespmem:v58+s2+$0x0], $0xffff  }
.LBB2_2:
0xaa: {  	_ =	sdelay $0x2  }
0xab: {  	v63 =	vld.idx.msk [tilespmem:v63+s2+$0x0], $0xffff;
	v47 =	vmul.f32 v50, v47;
	v50 =	vmul.f32 v48, v45  }
0xac: {  	v62 =	vld.idx.msk [tilespmem:v62+s2+$0x0], $0xffff;
	v32 =	vmul.f32 v32, v33;
	v33 =	vmul.f32 v35, v34  }
0xad: {  	v34 =	vld.idx.msk [tilespmem:v61+s2+$0x0], $0xffff;
	v35 =	vmul.f32 v37, v36;
	v36 =	vmul.f32 v39, v38  }
0xae: {  	v37 =	vld.idx.msk [tilespmem:v60+s2+$0x0], $0xffff;
	v38 =	vmul.f32 v41, v40;
	v60 =	vmul.f32 v43, v42  }
0xaf: {  	v61 =	vld.idx.msk [tilespmem:v59+s2+$0x0], $0xffff;
	v46 =	vmul.f32 v46, v44;
	v51 =	vmul.f32 v51, v49  }
0xb0: {  	v53 =	vmul.f32 v53, v52;
	v55 =	vmul.f32 v55, v54  }
0xb1: {  	v57 =	vmul.f32 v57, v56;
	v59 =	vmul.f32 v63, v58  }
0xb2: {  	v32 =	vmul.f32 v33, v32;
	v33 =	vmul.f32 v36, v35  }
0xb3: {  	v35 =	vmul.f32 v60, v38;
	v36 =	vmul.f32 v47, v46  }
0xb4: {  	v34 =	vmul.f32 v34, v62;
	v37 =	vmul.f32 v61, v37  }
0xb5: {  	v38 =	vmul.f32 v51, v50;
	v60 =	vmul.f32 v55, v53  }
0xb6: {  	v61 =	vmul.f32 v59, v57;
	v34 =	vmul.f32 v37, v34  }
0xb7: {  	v32 =	vmul.f32 v33, v32;
	v63 =	vmul.f32 v60, v38  }
0xb8: {  	v62 =	vmul.f32 v36, v35;
	v34 =	vmul.f32 v34, v61;
	_ =	sdelay $0x1  }
0xb9: {  	v41 =	vor.u32 s11, v2;
	v32 =	vmul.f32 v62, v32;
	v42 =	vmul.f32 v34, v63  }
0xba: {  	v43 =	vor.u32 s11, v1  }
0xbb: {  	v44 =	vor.u32 s11, v3;
	v32 =	vmul.f32 v42, v32  }
0xbc: {  	v45 =	vor.u32 s11, v4;
	s10 =	sadd.s32 $0x10, s10  }
0xbd: {  	v46 =	vor.u32 s11, v5;
	[tilespmem:s10+$0x0] =	vst v32  }
0xbe: {  	v47 =	vor.u32 s11, v6;
	v32 =	vld.idx.msk [tilespmem:v41+s2+$0x0], $0xffff  }
0xbf: {  	v48 =	vor.u32 s11, v7;
	v33 =	vld.idx.msk [tilespmem:v43+s2+$0x0], $0xffff  }
0xc0: {  	v49 =	vor.u32 s11, v8;
	v34 =	vld.idx.msk [tilespmem:v44+s2+$0x0], $0xffff  }
0xc1: {  	v50 =	vor.u32 s11, v9;
	v35 =	vld.idx.msk [tilespmem:v45+s2+$0x0], $0xffff  }
0xc2: {  	v51 =	vor.u32 s11, v10;
	v36 =	vld.idx.msk [tilespmem:v46+s2+$0x0], $0xffff  }
0xc3: {  	v52 =	vor.u32 s11, v11;
	v37 =	vld.idx.msk [tilespmem:v47+s2+$0x0], $0xffff  }
0xc4: {  	v53 =	vor.u32 s11, v12;
	v38 =	vld.idx.msk [tilespmem:v48+s2+$0x0], $0xffff  }
0xc5: {  	v54 =	vor.u32 s11, v13;
	v39 =	vld.idx.msk [tilespmem:v49+s2+$0x0], $0xffff  }
0xc6: {  	v55 =	vor.u32 s11, v14;
	v40 =	vld.idx.msk [tilespmem:v50+s2+$0x0], $0xffff  }
0xc7: {  	v56 =	vor.u32 s11, v15;
	v41 =	vld.idx.msk [tilespmem:v51+s2+$0x0], $0xffff  }
0xc8: {  	v58 =	vor.u32 s11, v17;
	v42 =	vld.idx.msk [tilespmem:v52+s2+$0x0], $0xffff  }
0xc9: {  	v57 =	vor.u32 s11, v16;
	v43 =	vld.idx.msk [tilespmem:v53+s2+$0x0], $0xffff  }
0xca: {  	v59 =	vor.u32 s11, v18;
	v44 =	vld.idx.msk [tilespmem:v54+s2+$0x0], $0xffff  }
0xcb: {  	v60 =	vor.u32 s11, v20;
	v46 =	vld.idx.msk [tilespmem:v55+s2+$0x0], $0xffff  }
0xcc: {  	v62 =	vor.u32 s11, v22;
	v47 =	vld.idx.msk [tilespmem:v56+s2+$0x0], $0xffff  }
0xcd: {  	v45 =	vld.idx.msk [tilespmem:v58+s2+$0x0], $0xffff;
	v58 =	vor.u32 s11, v25  }
0xce: {  	v0 =	vor.u32 s11, v27;
	v50 =	vld.idx.msk [tilespmem:v57+s2+$0x0], $0xffff  }
0xcf: {  	v48 =	vld.idx.msk [tilespmem:v59+s2+$0x0], $0xffff  }
0xd0: {  	v63 =	vor.u32 s11, v23;
	v51 =	vld.idx.msk [tilespmem:v60+s2+$0x0], $0xffff  }
0xd1: {  	v52 =	vor.u32 s11, v19;
	v53 =	vld.idx.msk [tilespmem:v62+s2+$0x0], $0xffff  }
0xd2: {  	v61 =	vor.u32 s11, v21;
	v56 =	vld.idx.msk [tilespmem:v58+s2+$0x0], $0xffff  }
0xd3: {  	v57 =	vor.u32 s11, v24;
	v58 =	vld.idx.msk [tilespmem:v0+s2+$0x0], $0xffff  }
0xd4: {  	p0 =	sne.s32 s11, $0xE00;
	v59 =	vor.u32 s11, v26;
	v0 =	vld [tilespmem:$0x1FFF0]  }
.Ltmp0:
0xd5: {  	v54 =	vld.idx.msk [tilespmem:v63+s2+$0x0], $0xffff;
	(pc) =	sbr.rel @p0 .LBB2_2-.Ltmp0, $4  }
0xd6: {  	v49 =	vld.idx.msk [tilespmem:v52+s2+$0x0], $0xffff  }
0xd7: {  	v52 =	vld.idx.msk [tilespmem:v61+s2+$0x0], $0xffff  }
0xd8: {  	v63 =	vor.u32 s11, v28;
	v62 =	vor.u32 s11, v29;
	v55 =	vld.idx.msk [tilespmem:v57+s2+$0x0], $0xffff  }
0xd9: {  	v60 =	vor.u32 s11, v31;
	v61 =	vor.u32 s11, v30;
	v57 =	vld.idx.msk [tilespmem:v59+s2+$0x0], $0xffff;
	v59 =	vor.u32 s11, v0;
	s11 =	sadd.s32 $0x200, s11  }
0xda: {  	_ =	sdelay $0x3  }
0xdb: {  	v0 =	vld.idx.msk [tilespmem:v63+s2+$0x0], $0xffff;
	v32 =	vmul.f32 v32, v33;
	v33 =	vmul.f32 v35, v34  }
0xdc: {  	v34 =	vld.idx.msk [tilespmem:v62+s2+$0x0], $0xffff;
	v35 =	vmul.f32 v37, v36;
	v36 =	vmul.f32 v39, v38  }
0xdd: {  	v37 =	vld.idx.msk [tilespmem:v61+s2+$0x0], $0xffff;
	v62 =	vmul.f32 v41, v40;
	v63 =	vmul.f32 v43, v42  }
0xde: {  	v40 =	vld.idx.msk [tilespmem:v60+s2+$0x0], $0xffff;
	v46 =	vmul.f32 v46, v44;
	v60 =	vmul.f32 v50, v47  }
0xdf: {  	v61 =	vld.idx.msk [tilespmem:v59+s2+$0x0], $0xffff;
	v50 =	vmul.f32 v48, v45;
	v51 =	vmul.f32 v51, v49  }
0xe0: {  	v32 =	vmul.f32 v33, v32;
	v33 =	vmul.f32 v36, v35  }
0xe1: {  	v62 =	vmul.f32 v63, v62;
	v63 =	vmul.f32 v60, v46  }
0xe2: {  	v53 =	vmul.f32 v53, v52;
	v55 =	vmul.f32 v55, v54  }
0xe3: {  	v59 =	vmul.f32 v57, v56;
	v0 =	vmul.f32 v0, v58  }
0xe4: {  	v34 =	vmul.f32 v37, v34;
	v60 =	vmul.f32 v61, v40  }
0xe5: {  	v38 =	vmul.f32 v51, v50;
	v61 =	vmul.f32 v55, v53  }
0xe6: {  	v0 =	vmul.f32 v0, v59;
	v34 =	vmul.f32 v60, v34  }
0xe7: {  	v32 =	vmul.f32 v33, v32;
	v62 =	vmul.f32 v63, v62  }
0xe8: {  	v63 =	vmul.f32 v61, v38;
	v0 =	vmul.f32 v34, v0;
	_ =	sdelay $0x1  }
0xe9: {  	v32 =	vmul.f32 v62, v32;
	v0 =	vmul.f32 v0, v63;
	_ =	sdelay $0x1  }
0xea: {  	v0 =	vmul.f32 v0, v32;
	_ =	sdelay $0x2  }
0xeb: {  	s10 =	sadd.s32 $0x10, s10  }
0xec: {  	s9 =	sadd.s32 $0x1, s9;
	[tilespmem:s10+$0x0] =	vst v0;
	v0 =	vmov v1  }
0xed: {  	p0 =	sne.s32 s9, s5;
	v1 =	vmovc v2;
	v2 =	vmovc v3;
	v3 =	vmov v4;
	v4 =	vmov v5;
	v5 =	vmov v6  }
.Ltmp1:
0xee: {  	v6 =	vmovc v7;
	v7 =	vmovc v8;
	v8 =	vmov v9;
	v9 =	vmov v10;
	v10 =	vmov v11;
	(pc) =	sbr.rel @p0 .LBB2_1-.Ltmp1, $4  }
0xef: {  	[hbm4b:s4+s2] =	stream.linear.scatter [tilespmem:s7], [sflag:$0x2], $0x80, $0x38;
	v11 =	vmovc v12;
	v12 =	vmovc v13;
	v13 =	vmov v14;
	v14 =	vmov v15;
	v15 =	vmov v16;
	[tilespmem:$0x1080] =	vst v63  }
0xf0: {  	_ =	swait.ge [sflag:s8], $0x80;
	v16 =	vmovc v17;
	v17 =	vmovc v18;
	v18 =	vmov v19;
	v19 =	vmov v20;
	v20 =	vmov v21  }
0xf1: {  	v21 =	vmovc v22;
	v22 =	vmovc v23;
	v23 =	vmov v24;
	v24 =	vmov v25;
	v25 =	vmov v26;
	[sflag:s8] =	ssyncset.done $0x0  }
0xf2: {  	v26 =	vmovc v27;
	v27 =	vmovc v28;
	v28 =	vmov v29;
	v29 =	vmov v30;
	v30 =	vmov v31;
	v31 =	vld [tilespmem:$0x1FFF0];
	[sflag:s8] =	ssyncadd.s32 $0xFFFFFF80  }
0xf3: {  	_ =	sfence.sel $0x180000  }
0xf4: {  	[bflag:$0x0] =	sbarrier.arrive $0xFFFF  }
0xf5: {  	p0 =	sne.s32 s1, $0x0;
	_ =	strace $0x90000047  }
0xf6: {  	s0 =	sadd.s32 @!p0 $0x100000, s0;
	[bflag:$0x2] =	sbarrier.arrive $0xFFFF  }
0xf7: {  	[sflag:s0] =	ssyncadd.tile.s32 @!p0 $0x1;
	_ =	shalt  }
.Lfunc_end2:
_tile_overlayer_lowered:
.L_overlay_start_2:
0xf8: {  	(tag) =	ssettag $0x2  }
0xf9: {  	s0 =	rddreg [dreg:$0x0];
	s2 =	stileid.u32  }
0xfa: {  	s1 =	rddreg [dreg:$0x1];
	p0 =	sne.s32 s2, $0x0  }
0xfb: {  	s3 =	rddreg [dreg:$0x2];
	[bflag:$0x3] =	sbarrier.arrive $0xFFFF;
	s2 =	simm.s32 @!p0 $0x1C02  }
0xfc: {  	[timem:s3], [sflag:s2] =	dma.local @!p0 [hbm:s0], s1  }
0xfd: {  	s0 =	simm.s32 @!p0 $0x2  }
0xfe: {  	_ =	swait.ge @!p0 [sflag:s0], s1  }
0xff: {  	s1 =	ssub.s32 @!p0 $0x0, s1;
	[sflag:s0] =	ssyncset.done @!p0 $0x0  }
0x100: {  	[sflag:s0] =	ssyncadd.s32 @!p0 s1  }
0x101: {  	[bflag:$0x3] =	sbarrier.arrive $0xFFFF  }
0x102: {  	_ =	shalt  }

</sc_bundles>
